<compile_context>
chip_gen: v7x
topology: tpu7x:2x2x1
jax: 0.10.2.dev20260603
libtpu: 0.0.44.dev20260713+nightly
codegen_flags: <defaults>
</compile_context>

<pallas_src>
import functools

import jax
import jax.numpy as jnp
from jax import lax
from jax.experimental import pallas as pl
from jax.experimental.pallas import tpu as pltpu
from jax.experimental.pallas import tpu_sc as plsc

_B, _H, _W = 8, 512, 512
_HW = _H * _W
_NC, _NS, _L = 2, 16, 16
_BPC = _B // _NC
_PXT = _BPC * _HW // _NS
_CHUNK = 2048
_NCHB = _HW // _NS // _CHUNK
_NCH = _BPC * _NCHB
_GROUPS = 4 * _CHUNK // 128
_ACC = _BPC * _HW
_TSL = _ACC // _NS
_OCH = 8192
_NOCH = _TSL // _OCH


def _warp_body(flow, zeros, out, acc, fx, fy, idxb, valb, obuf, ibuf):
    c = lax.axis_index("c")
    s = lax.axis_index("s")

    pltpu.sync_copy(zeros.at[pl.ds(s * _TSL, _TSL)],
                    acc.at[pl.ds(s * _TSL, _TSL)])
    plsc.subcore_barrier()

    iota = lax.broadcasted_iota(jnp.int32, (_L,), 0)

    def chunk_body(t, _):
        lb = t // _NCHB
        k = t % _NCHB
        b = c * _BPC + lb
        p0 = s * (_HW // _NS) + k * _CHUNK
        pltpu.sync_copy(flow.at[b, 0, pl.ds(p0, _CHUNK)], fx)
        pltpu.sync_copy(flow.at[b, 1, pl.ds(p0, _CHUNK)], fy)
        lb_off = lb * _HW

        def px_body(i, _):
            p = p0 + i * _L
            ybase = p // _W
            xbase = p - ybase * _W
            xsf = (xbase + iota).astype(jnp.float32)
            ysf = jnp.full((_L,), ybase, jnp.float32)
            x = xsf + fx[pl.ds(i * _L, _L)]
            y = ysf + fy[pl.ds(i * _L, _L)]
            x = jnp.minimum(jnp.maximum(x, -4.0), float(_W + 4))
            y = jnp.minimum(jnp.maximum(y, -4.0), float(_H + 4))
            xt = x.astype(jnp.int32)
            yt = y.astype(jnp.int32)
            x0 = jnp.where(x < xt.astype(jnp.float32), xt - 1, xt)
            y0 = jnp.where(y < yt.astype(jnp.float32), yt - 1, yt)
            wx1 = x - x0.astype(jnp.float32)
            wy1 = y - y0.astype(jnp.float32)
            wx0 = 1.0 - wx1
            wy0 = 1.0 - wy1
            x1 = x0 + 1
            y1 = y0 + 1
            xc0 = jnp.minimum(jnp.maximum(x0, 0), _W - 1)
            xc1 = jnp.minimum(jnp.maximum(x1, 0), _W - 1)
            yc0 = jnp.minimum(jnp.maximum(y0, 0), _H - 1)
            yc1 = jnp.minimum(jnp.maximum(y1, 0), _H - 1)
            vx0 = x0 == xc0
            vx1 = x1 == xc1
            vy0 = y0 == yc0
            vy1 = y1 == yc1
            r = i // 8
            col = (i - r * 8) * _L
            corners = ((xc0, vx0, wx0, yc0, vy0, wy0),
                       (xc1, vx1, wx1, yc0, vy0, wy0),
                       (xc0, vx0, wx0, yc1, vy1, wy1),
                       (xc1, vx1, wx1, yc1, vy1, wy1))
            for q, (xc, vx, wx, yc, vy, wy) in enumerate(corners):
                idx = lb_off + yc * _W + xc
                w = jnp.where(vx & vy, wx * wy, 0.0)
                idxb[q * 16 + r, pl.ds(col, _L)] = idx
                valb[q * 16 + r, pl.ds(col, _L)] = w
            return _

        lax.fori_loop(0, _CHUNK // _L, px_body, 0, unroll=False)

        def scat_body(r, _):
            pltpu.sync_copy(valb.at[r], acc.at[idxb.at[r]], add=True)
            return _

        lax.fori_loop(0, _GROUPS, scat_body, 0, unroll=False)
        return _

    lax.fori_loop(0, _NCH, chunk_body, 0, unroll=False)
    plsc.subcore_barrier()

    def thr_body(j, _):
        off = s * _TSL + j * _OCH
        pltpu.sync_copy(acc.at[pl.ds(off, _OCH)], obuf)

        def cmp_body(i, _):
            v = obuf[pl.ds(i * _L, _L)]
            ibuf[pl.ds(i * _L, _L)] = jnp.where(v > 1e-5, 1, 0)
            return _

        lax.fori_loop(0, _OCH // _L, cmp_body, 0, unroll=False)
        b2 = c * _BPC + s // (_NS // _BPC)
        rem = (s % (_NS // _BPC)) * _TSL + j * _OCH
        pltpu.sync_copy(ibuf, out.at[b2, pl.ds(rem, _OCH)])
        return _

    lax.fori_loop(0, _NOCH, thr_body, 0, unroll=False)


_warp = pl.kernel(
    _warp_body,
    out_type=jax.ShapeDtypeStruct((_B, _HW), jnp.int32),
    mesh=plsc.VectorSubcoreMesh(core_axis_name="c", subcore_axis_name="s"),
    scratch_types=[
        pltpu.VMEM_SHARED((_ACC,), jnp.float32),
        pltpu.VMEM((_CHUNK,), jnp.float32),
        pltpu.VMEM((_CHUNK,), jnp.float32),
        pltpu.VMEM((_GROUPS, 128), jnp.int32),
        pltpu.VMEM((_GROUPS, 128), jnp.float32),
        pltpu.VMEM((_OCH,), jnp.float32),
        pltpu.VMEM((_OCH,), jnp.int32),
    ],
)


@jax.jit
def kernel(input_flow, grid):
    del grid
    flow = input_flow.reshape(_B, 2, _HW)
    zeros = jnp.zeros((_ACC,), jnp.float32)
    out32 = _warp(flow, zeros)
    return out32.astype(jnp.bool_).reshape(_B, 1, _H, _W)

# --- scband reference (transcript-rebuilt; emitter-appended) ---
"""Pipeline reference for scband-flow-warp-mask-87316685128075 (READ-ONLY COPY).

The authoritative reference and input builder live on the scoring server;
editing this copy changes nothing except your own understanding.
"""

import jax, jax.numpy as jnp
import numpy as np

B, H, W = 8, 512, 512


def setup_inputs(seed: int = 0) -> dict:
    key = jax.random.key(seed)
    # flow in pixels; scale to realistic motion magnitudes
    input_flow = jax.random.normal(key, (B, 2, H, W), dtype=jnp.float32) * 8.0
    # integer pixel grid, same layout as generate_2D_mesh: channel 0 = x, channel 1 = y
    xs, ys = jnp.meshgrid(jnp.arange(W), jnp.arange(H))  # each (H, W)
    grid = jnp.stack([xs, ys], axis=0).astype(jnp.int32)  # (2, H, W)
    grid = jnp.broadcast_to(grid[None], (B, 2, H, W))
    return {"input_flow": input_flow, "grid": grid}


def _forward_warp_mask(input_flow, grid):
    # Forward-warp splat: each source pixel bilinearly splats weight 1 into the
    # output mask at (grid + flow); clamp accumulated coverage to [0, 1].
    Bb, _, Hh, Ww = input_flow.shape
    pos = grid.astype(jnp.float32) + input_flow
    x = pos[:, 0]  # (B, H, W)
    y = pos[:, 1]
    x0 = jnp.floor(x)
    y0 = jnp.floor(y)
    x1 = x0 + 1.0
    y1 = y0 + 1.0
    wx1 = x - x0
    wx0 = 1.0 - wx1
    wy1 = y - y0
    wy0 = 1.0 - wy1
    out = jnp.zeros((Bb * Hh * Ww,), dtype=jnp.float32)
    bidx = (jnp.arange(Bb) * (Hh * Ww)).reshape(Bb, 1, 1)

    def splat(acc, xi, yi, w):
        valid = (xi >= 0) & (xi <= Ww - 1) & (yi >= 0) & (yi <= Hh - 1)
        xic = jnp.clip(xi, 0, Ww - 1).astype(jnp.int32)
        yic = jnp.clip(yi, 0, Hh - 1).astype(jnp.int32)
        idx = (bidx + yic * Ww + xic).reshape(-1)
        vals = (w * valid.astype(jnp.float32)).reshape(-1)
        return acc.at[idx].add(vals)

    out = splat(out, x0, y0, wx0 * wy0)
    out = splat(out, x1, y0, wx1 * wy0)
    out = splat(out, x0, y1, wx0 * wy1)
    out = splat(out, x1, y1, wx1 * wy1)
    out = out.reshape(Bb, 1, Hh, Ww)
    out = jnp.clip(out, 0.0, 1.0)
    return out


def reference(input_flow, grid):
    out_mask = _forward_warp_mask(input_flow, grid)
    return out_mask > 1e-05

if __name__ == "__main__":
    import jax
    _d = setup_inputs()
    print(jax.jit(kernel)(*tuple(_d.values())))

</pallas_src>

<mosaic_0001>
#map = affine_map<(d0, d1) -> (0, 0, 0)>
#map1 = affine_map<(d0, d1) -> (0)>
#map2 = affine_map<(d0, d1) -> (0, 0)>
module attributes {stable_mosaic.version = 14 : i64} {
  func.func @_warp_body(%arg0: i32, %arg1: i32, %arg2: memref<8x2x262144xf32, #tpu.memory_space<hbm>>, %arg3: memref<1048576xf32, #tpu.memory_space<hbm>>, %arg4: memref<8x262144xi32, #tpu.memory_space<hbm>>, %arg5: memref<1048576xf32, #tpu.memory_space<vmem_shared>>, %arg6: memref<2048xf32, #tpu.memory_space<vmem>>, %arg7: memref<2048xf32, #tpu.memory_space<vmem>>, %arg8: memref<64x128xi32, #tpu.memory_space<vmem>>, %arg9: memref<64x128xf32, #tpu.memory_space<vmem>>, %arg10: memref<8192xf32, #tpu.memory_space<vmem>>, %arg11: memref<8192xi32, #tpu.memory_space<vmem>>) attributes {dimension_semantics = [#tpu.dimension_semantics<core_parallel>, #tpu.dimension_semantics<subcore_parallel>], iteration_bounds = array<i64: 2, 16>, scalar_prefetch = 0 : i64, scratch_operands = 7 : i64, tpu.core_type = #tpu.core_type<sc_vector_subcore>, window_params = [{transform_indices = #map}, {transform_indices = #map1}, {transform_indices = #map2}]} {
    %mul3A = arith.constant 65536 : i32
    %mul3A_0 = arith.muli %arg1, %mul3A : i32
    %mul3A_1 = arith.constant 65536 : i32
    %mul3A_2 = arith.muli %arg1, %mul3A_1 : i32
    "tpu.region"() ({
      %run_scoped3A = tpu.sem_alloc : memref<!tpu.dma_semaphore, #tpu.memory_space<semaphore_mem>>
      %dma_start3A = tpu.memref_slice %arg5[%mul3A_2] : memref<1048576xf32, #tpu.memory_space<vmem_shared>> -> memref<65536xf32, #tpu.memory_space<vmem_shared>>
      %dma_start3A_15 = tpu.memref_slice %arg3[%mul3A_0] : memref<1048576xf32, #tpu.memory_space<hbm>> -> memref<65536xf32, #tpu.memory_space<hbm>>
      tpu.enqueue_dma source(%dma_start3A_15 : memref<65536xf32, #tpu.memory_space<hbm>>) target(%dma_start3A : memref<65536xf32, #tpu.memory_space<vmem_shared>>) target_semaphore(%run_scoped3A : memref<!tpu.dma_semaphore, #tpu.memory_space<semaphore_mem>>)
      %dma_wait3A = tpu.memref_slice %arg5[%mul3A_2] : memref<1048576xf32, #tpu.memory_space<vmem_shared>> -> memref<65536xf32, #tpu.memory_space<vmem_shared>>
      %dma_wait3A_16 = tpu.memref_slice %arg3[%mul3A_0] : memref<1048576xf32, #tpu.memory_space<hbm>> -> memref<65536xf32, #tpu.memory_space<hbm>>
      tpu.wait_dma2 semaphore(%run_scoped3A : memref<!tpu.dma_semaphore, #tpu.memory_space<semaphore_mem>>) src(%dma_wait3A_16 : memref<65536xf32, #tpu.memory_space<hbm>>) dst(%dma_wait3A : memref<65536xf32, #tpu.memory_space<vmem_shared>>)
      tpu.yield
    }) : () -> ()
    %barrier3A = arith.constant 0 : index
    tpu.barrier barrier_id(%barrier3A)
    %iota3A = tpu.iota {dimensions = array<i32: 0>} : vector<16xi32>
    %scan3A = arith.constant 0 : i32
    %scan3A_3 = arith.constant 0 : i32
    %scan3A_4 = arith.constant 32 : i32
    %scan3A_5 = arith.addi %scan3A_3, %scan3A_4 : i32
    %scan3A_6 = arith.constant 1 : i32
    scf.for %scan3A_15 = %scan3A_3 to %scan3A_5 step %scan3A_6  : i32 {
      %jit3A = arith.constant 8 : i32
      %div3A = arith.divsi %scan3A_15, %jit3A : i32
      %sign3A = arith.constant 0 : i32
      %sign3A_16 = arith.cmpi sgt, %scan3A_15, %sign3A : i32
      %sign3A_17 = arith.extui %sign3A_16 : i1 to i32
      %sign3A_18 = arith.constant 0 : i32
      %sign3A_19 = arith.cmpi slt, %scan3A_15, %sign3A_18 : i32
      %sign3A_20 = arith.extui %sign3A_19 : i1 to i32
      %sign3A_21 = arith.subi %sign3A_17, %sign3A_20 : i32
      %sign3A_22 = arith.constant 0 : i32
      %sign3A_23 = arith.cmpi sgt, %jit3A, %sign3A_22 : i32
      %sign3A_24 = arith.extui %sign3A_23 : i1 to i32
      %sign3A_25 = arith.constant 0 : i32
      %sign3A_26 = arith.cmpi slt, %jit3A, %sign3A_25 : i32
      %sign3A_27 = arith.extui %sign3A_26 : i1 to i32
      %sign3A_28 = arith.subi %sign3A_24, %sign3A_27 : i32
      %ne3A = arith.cmpi ne, %sign3A_21, %sign3A_28 : i32
      %rem3A = arith.remsi %scan3A_15, %jit3A : i32
      %ne3A_29 = arith.constant 0 : i32
      %ne3A_30 = arith.cmpi ne, %rem3A, %ne3A_29 : i32
      %and3A = arith.andi %ne3A, %ne3A_30 : i1
      %sub3A = arith.constant 1 : i32
      %sub3A_31 = arith.subi %div3A, %sub3A : i32
      %select_n3A = arith.select %and3A, %sub3A_31, %div3A : i32
      %jit3A_32 = arith.constant 8 : i32
      %eq3A = arith.constant 0 : i32
      %eq3A_33 = arith.cmpi eq, %jit3A_32, %eq3A : i32
      %jit3A_34 = arith.constant 1 : i32
      %select_n3A_35 = arith.select %eq3A_33, %jit3A_34, %jit3A_32 : i32
      %rem3A_36 = arith.remsi %scan3A_15, %select_n3A_35 : i32
      %ne3A_37 = arith.constant 0 : i32
      %ne3A_38 = arith.cmpi ne, %rem3A_36, %ne3A_37 : i32
      %lt3A = arith.constant 0 : i32
      %lt3A_39 = arith.cmpi slt, %rem3A_36, %lt3A : i32
      %lt3A_40 = arith.constant 0 : i32
      %lt3A_41 = arith.cmpi slt, %select_n3A_35, %lt3A_40 : i32
      %ne3A_42 = arith.xori %lt3A_39, %lt3A_41 : i1
      %and3A_43 = arith.andi %ne3A_42, %ne3A_38 : i1
      %add3A = arith.addi %rem3A_36, %select_n3A_35 : i32
      %select_n3A_44 = arith.select %and3A_43, %add3A, %rem3A_36 : i32
      %mul3A_45 = arith.constant 4 : i32
      %mul3A_46 = arith.muli %arg0, %mul3A_45 : i32
      %add3A_47 = arith.addi %mul3A_46, %select_n3A : i32
      %mul3A_48 = arith.constant 16384 : i32
      %mul3A_49 = arith.muli %arg1, %mul3A_48 : i32
      %mul3A_50 = arith.constant 2048 : i32
      %mul3A_51 = arith.muli %select_n3A_44, %mul3A_50 : i32
      %add3A_52 = arith.addi %mul3A_49, %mul3A_51 : i32
      %run_scoped3A = arith.constant 0 : i32
      "tpu.region"() ({
        %run_scoped3A_68 = tpu.sem_alloc : memref<!tpu.dma_semaphore, #tpu.memory_space<semaphore_mem>>
        %dma_start3A = tpu.memref_slice %arg2[%add3A_47, %run_scoped3A, %add3A_52] : memref<8x2x262144xf32, #tpu.memory_space<hbm>> -> memref<1x1x2048xf32, #tpu.memory_space<hbm>>
        %dma_start3A_69 = tpu.memref_squeeze %dma_start3A : memref<1x1x2048xf32, #tpu.memory_space<hbm>> -> memref<2048xf32, #tpu.memory_space<hbm>>
        %dma_start3A_70 = tpu.memref_slice %arg2[%add3A_47, %run_scoped3A, %add3A_52] : memref<8x2x262144xf32, #tpu.memory_space<hbm>> -> memref<1x1x2048xf32, #tpu.memory_space<hbm>>
        %dma_start3A_71 = tpu.memref_squeeze %dma_start3A_70 : memref<1x1x2048xf32, #tpu.memory_space<hbm>> -> memref<2048xf32, #tpu.memory_space<hbm>>
        tpu.enqueue_dma source(%dma_start3A_71 : memref<2048xf32, #tpu.memory_space<hbm>>) target(%arg6 : memref<2048xf32, #tpu.memory_space<vmem>>) target_semaphore(%run_scoped3A_68 : memref<!tpu.dma_semaphore, #tpu.memory_space<semaphore_mem>>)
        %dma_wait3A = tpu.memref_slice %arg2[%add3A_47, %run_scoped3A, %add3A_52] : memref<8x2x262144xf32, #tpu.memory_space<hbm>> -> memref<1x1x2048xf32, #tpu.memory_space<hbm>>
        %dma_wait3A_72 = tpu.memref_squeeze %dma_wait3A : memref<1x1x2048xf32, #tpu.memory_space<hbm>> -> memref<2048xf32, #tpu.memory_space<hbm>>
        %dma_wait3A_73 = tpu.memref_slice %arg2[%add3A_47, %run_scoped3A, %add3A_52] : memref<8x2x262144xf32, #tpu.memory_space<hbm>> -> memref<1x1x2048xf32, #tpu.memory_space<hbm>>
        %dma_wait3A_74 = tpu.memref_squeeze %dma_wait3A_73 : memref<1x1x2048xf32, #tpu.memory_space<hbm>> -> memref<2048xf32, #tpu.memory_space<hbm>>
        tpu.wait_dma2 semaphore(%run_scoped3A_68 : memref<!tpu.dma_semaphore, #tpu.memory_space<semaphore_mem>>) src(%dma_wait3A_74 : memref<2048xf32, #tpu.memory_space<hbm>>) dst(%arg6 : memref<2048xf32, #tpu.memory_space<vmem>>)
        tpu.yield
      }) : () -> ()
      %run_scoped3A_53 = arith.constant 1 : i32
      "tpu.region"() ({
        %run_scoped3A_68 = tpu.sem_alloc : memref<!tpu.dma_semaphore, #tpu.memory_space<semaphore_mem>>
        %dma_start3A = tpu.memref_slice %arg2[%add3A_47, %run_scoped3A_53, %add3A_52] : memref<8x2x262144xf32, #tpu.memory_space<hbm>> -> memref<1x1x2048xf32, #tpu.memory_space<hbm>>
        %dma_start3A_69 = tpu.memref_squeeze %dma_start3A : memref<1x1x2048xf32, #tpu.memory_space<hbm>> -> memref<2048xf32, #tpu.memory_space<hbm>>
        %dma_start3A_70 = tpu.memref_slice %arg2[%add3A_47, %run_scoped3A_53, %add3A_52] : memref<8x2x262144xf32, #tpu.memory_space<hbm>> -> memref<1x1x2048xf32, #tpu.memory_space<hbm>>
        %dma_start3A_71 = tpu.memref_squeeze %dma_start3A_70 : memref<1x1x2048xf32, #tpu.memory_space<hbm>> -> memref<2048xf32, #tpu.memory_space<hbm>>
        tpu.enqueue_dma source(%dma_start3A_71 : memref<2048xf32, #tpu.memory_space<hbm>>) target(%arg7 : memref<2048xf32, #tpu.memory_space<vmem>>) target_semaphore(%run_scoped3A_68 : memref<!tpu.dma_semaphore, #tpu.memory_space<semaphore_mem>>)
        %dma_wait3A = tpu.memref_slice %arg2[%add3A_47, %run_scoped3A_53, %add3A_52] : memref<8x2x262144xf32, #tpu.memory_space<hbm>> -> memref<1x1x2048xf32, #tpu.memory_space<hbm>>
        %dma_wait3A_72 = tpu.memref_squeeze %dma_wait3A : memref<1x1x2048xf32, #tpu.memory_space<hbm>> -> memref<2048xf32, #tpu.memory_space<hbm>>
        %dma_wait3A_73 = tpu.memref_slice %arg2[%add3A_47, %run_scoped3A_53, %add3A_52] : memref<8x2x262144xf32, #tpu.memory_space<hbm>> -> memref<1x1x2048xf32, #tpu.memory_space<hbm>>
        %dma_wait3A_74 = tpu.memref_squeeze %dma_wait3A_73 : memref<1x1x2048xf32, #tpu.memory_space<hbm>> -> memref<2048xf32, #tpu.memory_space<hbm>>
        tpu.wait_dma2 semaphore(%run_scoped3A_68 : memref<!tpu.dma_semaphore, #tpu.memory_space<semaphore_mem>>) src(%dma_wait3A_74 : memref<2048xf32, #tpu.memory_space<hbm>>) dst(%arg7 : memref<2048xf32, #tpu.memory_space<vmem>>)
        tpu.yield
      }) : () -> ()
      %mul3A_54 = arith.constant 262144 : i32
      %mul3A_55 = arith.muli %select_n3A, %mul3A_54 : i32
      %scan3A_56 = arith.constant 0 : i32
      %scan3A_57 = arith.constant 0 : i32
      %scan3A_58 = arith.constant 128 : i32
      %scan3A_59 = arith.addi %scan3A_57, %scan3A_58 : i32
      %scan3A_60 = arith.constant 1 : i32
      scf.for %scan3A_68 = %scan3A_57 to %scan3A_59 step %scan3A_60  : i32 {
        %mul3A_69 = arith.constant 16 : i32
        %mul3A_70 = arith.muli %scan3A_68, %mul3A_69 : i32
        %add3A_71 = arith.addi %add3A_52, %mul3A_70 : i32
        %jit3A_72 = arith.constant 512 : i32
        %div3A_73 = arith.divsi %add3A_71, %jit3A_72 : i32
        %sign3A_74 = arith.constant 0 : i32
        %sign3A_75 = arith.cmpi sgt, %add3A_71, %sign3A_74 : i32
        %sign3A_76 = arith.extui %sign3A_75 : i1 to i32
        %sign3A_77 = arith.constant 0 : i32
        %sign3A_78 = arith.cmpi slt, %add3A_71, %sign3A_77 : i32
        %sign3A_79 = arith.extui %sign3A_78 : i1 to i32
        %sign3A_80 = arith.subi %sign3A_76, %sign3A_79 : i32
        %sign3A_81 = arith.constant 0 : i32
        %sign3A_82 = arith.cmpi sgt, %jit3A_72, %sign3A_81 : i32
        %sign3A_83 = arith.extui %sign3A_82 : i1 to i32
        %sign3A_84 = arith.constant 0 : i32
        %sign3A_85 = arith.cmpi slt, %jit3A_72, %sign3A_84 : i32
        %sign3A_86 = arith.extui %sign3A_85 : i1 to i32
        %sign3A_87 = arith.subi %sign3A_83, %sign3A_86 : i32
        %ne3A_88 = arith.cmpi ne, %sign3A_80, %sign3A_87 : i32
        %rem3A_89 = arith.remsi %add3A_71, %jit3A_72 : i32
        %ne3A_90 = arith.constant 0 : i32
        %ne3A_91 = arith.cmpi ne, %rem3A_89, %ne3A_90 : i32
        %and3A_92 = arith.andi %ne3A_88, %ne3A_91 : i1
        %sub3A_93 = arith.constant 1 : i32
        %sub3A_94 = arith.subi %div3A_73, %sub3A_93 : i32
        %select_n3A_95 = arith.select %and3A_92, %sub3A_94, %div3A_73 : i32
        %mul3A_96 = arith.constant 512 : i32
        %mul3A_97 = arith.muli %select_n3A_95, %mul3A_96 : i32
        %sub3A_98 = arith.subi %add3A_71, %mul3A_97 : i32
        %add3A_99 = vector.broadcast %sub3A_98 : i32 to vector<16xi32>
        %add3A_100 = arith.addi %add3A_99, %iota3A : vector<16xi32>
        %convert_element_type3A = arith.sitofp %add3A_100 : vector<16xi32> to vector<16xf32>
        %convert_element_type3A_101 = arith.sitofp %select_n3A_95 : i32 to f32
        %broadcast_in_dim3A = vector.broadcast %convert_element_type3A_101 : f32 to vector<16xf32>
        %mul3A_102 = arith.constant 16 : i32
        %mul3A_103 = arith.muli %scan3A_68, %mul3A_102 : i32
        %get3A = arith.index_cast %mul3A_103 : i32 to index
        %get3A_104 = tpu.vector_load %arg6[%get3A] {strides = array<i32>} : memref<2048xf32, #tpu.memory_space<vmem>>, vector<16xf32>,
        %get3A_105 = vector.shape_cast %get3A_104 : vector<16xf32> to vector<16xf32>
        %add3A_106 = arith.addf %convert_element_type3A, %get3A_105 : vector<16xf32>
        %mul3A_107 = arith.constant 16 : i32
        %mul3A_108 = arith.muli %scan3A_68, %mul3A_107 : i32
        %get3A_109 = arith.index_cast %mul3A_108 : i32 to index
        %get3A_110 = tpu.vector_load %arg7[%get3A_109] {strides = array<i32>} : memref<2048xf32, #tpu.memory_space<vmem>>, vector<16xf32>,
        %get3A_111 = vector.shape_cast %get3A_110 : vector<16xf32> to vector<16xf32>
        %add3A_112 = arith.addf %broadcast_in_dim3A, %get3A_111 : vector<16xf32>
        %max3A = arith.constant -4.000000e+00 : f32
        %max3A_113 = vector.broadcast %max3A : f32 to vector<16xf32>
        %max3A_114 = arith.maximumf %add3A_106, %max3A_113 : vector<16xf32>
        %min3A = arith.constant 5.160000e+02 : f32
        %min3A_115 = vector.broadcast %min3A : f32 to vector<16xf32>
        %min3A_116 = arith.minimumf %max3A_114, %min3A_115 : vector<16xf32>
        %max3A_117 = arith.constant -4.000000e+00 : f32
        %max3A_118 = vector.broadcast %max3A_117 : f32 to vector<16xf32>
        %max3A_119 = arith.maximumf %add3A_112, %max3A_118 : vector<16xf32>
        %min3A_120 = arith.constant 5.160000e+02 : f32
        %min3A_121 = vector.broadcast %min3A_120 : f32 to vector<16xf32>
        %min3A_122 = arith.minimumf %max3A_119, %min3A_121 : vector<16xf32>
        %convert_element_type3A_123 = arith.fptosi %min3A_116 : vector<16xf32> to vector<16xi32>
        %convert_element_type3A_124 = arith.fptosi %min3A_122 : vector<16xf32> to vector<16xi32>
        %convert_element_type3A_125 = arith.sitofp %convert_element_type3A_123 : vector<16xi32> to vector<16xf32>
        %lt3A_126 = arith.cmpf olt, %min3A_116, %convert_element_type3A_125 : vector<16xf32>
        %sub3A_127 = arith.constant 1 : i32
        %sub3A_128 = vector.broadcast %sub3A_127 : i32 to vector<16xi32>
        %sub3A_129 = arith.subi %convert_element_type3A_123, %sub3A_128 : vector<16xi32>
        %select_n3A_130 = arith.select %lt3A_126, %sub3A_129, %convert_element_type3A_123 : vector<16xi1>, vector<16xi32>
        %convert_element_type3A_131 = arith.sitofp %convert_element_type3A_124 : vector<16xi32> to vector<16xf32>
        %lt3A_132 = arith.cmpf olt, %min3A_122, %convert_element_type3A_131 : vector<16xf32>
        %sub3A_133 = arith.constant 1 : i32
        %sub3A_134 = vector.broadcast %sub3A_133 : i32 to vector<16xi32>
        %sub3A_135 = arith.subi %convert_element_type3A_124, %sub3A_134 : vector<16xi32>
        %select_n3A_136 = arith.select %lt3A_132, %sub3A_135, %convert_element_type3A_124 : vector<16xi1>, vector<16xi32>
        %convert_element_type3A_137 = arith.sitofp %select_n3A_130 : vector<16xi32> to vector<16xf32>
        %sub3A_138 = arith.subf %min3A_116, %convert_element_type3A_137 : vector<16xf32>
        %convert_element_type3A_139 = arith.sitofp %select_n3A_136 : vector<16xi32> to vector<16xf32>
        %sub3A_140 = arith.subf %min3A_122, %convert_element_type3A_139 : vector<16xf32>
        %sub3A_141 = arith.constant 1.000000e+00 : f32
        %sub3A_142 = vector.broadcast %sub3A_141 : f32 to vector<16xf32>
        %sub3A_143 = arith.subf %sub3A_142, %sub3A_138 : vector<16xf32>
        %sub3A_144 = arith.constant 1.000000e+00 : f32
        %sub3A_145 = vector.broadcast %sub3A_144 : f32 to vector<16xf32>
        %sub3A_146 = arith.subf %sub3A_145, %sub3A_140 : vector<16xf32>
        %add3A_147 = arith.constant 1 : i32
        %add3A_148 = vector.broadcast %add3A_147 : i32 to vector<16xi32>
        %add3A_149 = arith.addi %select_n3A_130, %add3A_148 : vector<16xi32>
        %add3A_150 = arith.constant 1 : i32
        %add3A_151 = vector.broadcast %add3A_150 : i32 to vector<16xi32>
        %add3A_152 = arith.addi %select_n3A_136, %add3A_151 : vector<16xi32>
        %max3A_153 = arith.constant 0 : i32
        %max3A_154 = vector.broadcast %max3A_153 : i32 to vector<16xi32>
        %max3A_155 = arith.maxsi %select_n3A_130, %max3A_154 : vector<16xi32>
        %min3A_156 = arith.constant 511 : i32
        %min3A_157 = vector.broadcast %min3A_156 : i32 to vector<16xi32>
        %min3A_158 = arith.minsi %max3A_155, %min3A_157 : vector<16xi32>
        %max3A_159 = arith.constant 0 : i32
        %max3A_160 = vector.broadcast %max3A_159 : i32 to vector<16xi32>
        %max3A_161 = arith.maxsi %add3A_149, %max3A_160 : vector<16xi32>
        %min3A_162 = arith.constant 511 : i32
        %min3A_163 = vector.broadcast %min3A_162 : i32 to vector<16xi32>
        %min3A_164 = arith.minsi %max3A_161, %min3A_163 : vector<16xi32>
        %max3A_165 = arith.constant 0 : i32
        %max3A_166 = vector.broadcast %max3A_165 : i32 to vector<16xi32>
        %max3A_167 = arith.maxsi %select_n3A_136, %max3A_166 : vector<16xi32>
        %min3A_168 = arith.constant 511 : i32
        %min3A_169 = vector.broadcast %min3A_168 : i32 to vector<16xi32>
        %min3A_170 = arith.minsi %max3A_167, %min3A_169 : vector<16xi32>
        %max3A_171 = arith.constant 0 : i32
        %max3A_172 = vector.broadcast %max3A_171 : i32 to vector<16xi32>
        %max3A_173 = arith.maxsi %add3A_152, %max3A_172 : vector<16xi32>
        %min3A_174 = arith.constant 511 : i32
        %min3A_175 = vector.broadcast %min3A_174 : i32 to vector<16xi32>
        %min3A_176 = arith.minsi %max3A_173, %min3A_175 : vector<16xi32>
        %eq3A_177 = arith.cmpi eq, %select_n3A_130, %min3A_158 : vector<16xi32>
        %eq3A_178 = arith.cmpi eq, %add3A_149, %min3A_164 : vector<16xi32>
        %eq3A_179 = arith.cmpi eq, %select_n3A_136, %min3A_170 : vector<16xi32>
        %eq3A_180 = arith.cmpi eq, %add3A_152, %min3A_176 : vector<16xi32>
        %jit3A_181 = arith.constant 8 : i32
        %div3A_182 = arith.divsi %scan3A_68, %jit3A_181 : i32
        %sign3A_183 = arith.constant 0 : i32
        %sign3A_184 = arith.cmpi sgt, %scan3A_68, %sign3A_183 : i32
        %sign3A_185 = arith.extui %sign3A_184 : i1 to i32
        %sign3A_186 = arith.constant 0 : i32
        %sign3A_187 = arith.cmpi slt, %scan3A_68, %sign3A_186 : i32
        %sign3A_188 = arith.extui %sign3A_187 : i1 to i32
        %sign3A_189 = arith.subi %sign3A_185, %sign3A_188 : i32
        %sign3A_190 = arith.constant 0 : i32
        %sign3A_191 = arith.cmpi sgt, %jit3A_181, %sign3A_190 : i32
        %sign3A_192 = arith.extui %sign3A_191 : i1 to i32
        %sign3A_193 = arith.constant 0 : i32
        %sign3A_194 = arith.cmpi slt, %jit3A_181, %sign3A_193 : i32
        %sign3A_195 = arith.extui %sign3A_194 : i1 to i32
        %sign3A_196 = arith.subi %sign3A_192, %sign3A_195 : i32
        %ne3A_197 = arith.cmpi ne, %sign3A_189, %sign3A_196 : i32
        %rem3A_198 = arith.remsi %scan3A_68, %jit3A_181 : i32
        %ne3A_199 = arith.constant 0 : i32
        %ne3A_200 = arith.cmpi ne, %rem3A_198, %ne3A_199 : i32
        %and3A_201 = arith.andi %ne3A_197, %ne3A_200 : i1
        %sub3A_202 = arith.constant 1 : i32
        %sub3A_203 = arith.subi %div3A_182, %sub3A_202 : i32
        %select_n3A_204 = arith.select %and3A_201, %sub3A_203, %div3A_182 : i32
        %mul3A_205 = arith.constant 8 : i32
        %mul3A_206 = arith.muli %select_n3A_204, %mul3A_205 : i32
        %sub3A_207 = arith.subi %scan3A_68, %mul3A_206 : i32
        %mul3A_208 = arith.constant 16 : i32
        %mul3A_209 = arith.muli %sub3A_207, %mul3A_208 : i32
        %mul3A_210 = arith.constant 512 : i32
        %mul3A_211 = vector.broadcast %mul3A_210 : i32 to vector<16xi32>
        %mul3A_212 = arith.muli %min3A_170, %mul3A_211 : vector<16xi32>
        %add3A_213 = vector.broadcast %mul3A_55 : i32 to vector<16xi32>
        %add3A_214 = arith.addi %add3A_213, %mul3A_212 : vector<16xi32>
        %add3A_215 = arith.addi %add3A_214, %min3A_158 : vector<16xi32>
        %and3A_216 = arith.andi %eq3A_177, %eq3A_179 : vector<16xi1>
        %mul3A_217 = arith.mulf %sub3A_143, %sub3A_146 : vector<16xf32>
        %jit3A_218 = arith.constant 0.000000e+00 : f32
        %broadcast_in_dim3A_219 = vector.broadcast %jit3A_218 : f32 to vector<16xf32>
        %select_n3A_220 = arith.select %and3A_216, %mul3A_217, %broadcast_in_dim3A_219 : vector<16xi1>, vector<16xf32>
        %add3A_221 = arith.constant 0 : i32
        %add3A_222 = arith.addi %add3A_221, %select_n3A_204 : i32
        %swap3A = arith.index_cast %add3A_222 : i32 to index
        %swap3A_223 = arith.index_cast %mul3A_209 : i32 to index
        %swap3A_224 = tpu.vector_load %arg8[%swap3A, %swap3A_223] {strides = array<i32>} : memref<64x128xi32, #tpu.memory_space<vmem>>, vector<1x16xi32>,
        %swap3A_225 = vector.shape_cast %swap3A_224 : vector<1x16xi32> to vector<16xi32>
        %swap3A_226 = vector.shape_cast %add3A_215 : vector<16xi32> to vector<1x16xi32>
        tpu.vector_store %arg8[%swap3A, %swap3A_223], %swap3A_226 {strides = array<i32>} : memref<64x128xi32, #tpu.memory_space<vmem>>, vector<1x16xi32>,
        %add3A_227 = arith.constant 0 : i32
        %add3A_228 = arith.addi %add3A_227, %select_n3A_204 : i32
        %swap3A_229 = arith.index_cast %add3A_228 : i32 to index
        %swap3A_230 = arith.index_cast %mul3A_209 : i32 to index
        %swap3A_231 = tpu.vector_load %arg9[%swap3A_229, %swap3A_230] {strides = array<i32>} : memref<64x128xf32, #tpu.memory_space<vmem>>, vector<1x16xf32>,
        %swap3A_232 = vector.shape_cast %swap3A_231 : vector<1x16xf32> to vector<16xf32>
        %swap3A_233 = vector.shape_cast %select_n3A_220 : vector<16xf32> to vector<1x16xf32>
        tpu.vector_store %arg9[%swap3A_229, %swap3A_230], %swap3A_233 {strides = array<i32>} : memref<64x128xf32, #tpu.memory_space<vmem>>, vector<1x16xf32>,
        %mul3A_234 = arith.constant 512 : i32
        %mul3A_235 = vector.broadcast %mul3A_234 : i32 to vector<16xi32>
        %mul3A_236 = arith.muli %min3A_170, %mul3A_235 : vector<16xi32>
        %add3A_237 = vector.broadcast %mul3A_55 : i32 to vector<16xi32>
        %add3A_238 = arith.addi %add3A_237, %mul3A_236 : vector<16xi32>
        %add3A_239 = arith.addi %add3A_238, %min3A_164 : vector<16xi32>
        %and3A_240 = arith.andi %eq3A_178, %eq3A_179 : vector<16xi1>
        %mul3A_241 = arith.mulf %sub3A_138, %sub3A_146 : vector<16xf32>
        %jit3A_242 = arith.constant 0.000000e+00 : f32
        %broadcast_in_dim3A_243 = vector.broadcast %jit3A_242 : f32 to vector<16xf32>
        %select_n3A_244 = arith.select %and3A_240, %mul3A_241, %broadcast_in_dim3A_243 : vector<16xi1>, vector<16xf32>
        %add3A_245 = arith.constant 16 : i32
        %add3A_246 = arith.addi %add3A_245, %select_n3A_204 : i32
        %swap3A_247 = arith.index_cast %add3A_246 : i32 to index
        %swap3A_248 = arith.index_cast %mul3A_209 : i32 to index
        %swap3A_249 = tpu.vector_load %arg8[%swap3A_247, %swap3A_248] {strides = array<i32>} : memref<64x128xi32, #tpu.memory_space<vmem>>, vector<1x16xi32>,
        %swap3A_250 = vector.shape_cast %swap3A_249 : vector<1x16xi32> to vector<16xi32>
        %swap3A_251 = vector.shape_cast %add3A_239 : vector<16xi32> to vector<1x16xi32>
        tpu.vector_store %arg8[%swap3A_247, %swap3A_248], %swap3A_251 {strides = array<i32>} : memref<64x128xi32, #tpu.memory_space<vmem>>, vector<1x16xi32>,
        %add3A_252 = arith.constant 16 : i32
        %add3A_253 = arith.addi %add3A_252, %select_n3A_204 : i32
        %swap3A_254 = arith.index_cast %add3A_253 : i32 to index
        %swap3A_255 = arith.index_cast %mul3A_209 : i32 to index
        %swap3A_256 = tpu.vector_load %arg9[%swap3A_254, %swap3A_255] {strides = array<i32>} : memref<64x128xf32, #tpu.memory_space<vmem>>, vector<1x16xf32>,
        %swap3A_257 = vector.shape_cast %swap3A_256 : vector<1x16xf32> to vector<16xf32>
        %swap3A_258 = vector.shape_cast %select_n3A_244 : vector<16xf32> to vector<1x16xf32>
        tpu.vector_store %arg9[%swap3A_254, %swap3A_255], %swap3A_258 {strides = array<i32>} : memref<64x128xf32, #tpu.memory_space<vmem>>, vector<1x16xf32>,
        %mul3A_259 = arith.constant 512 : i32
        %mul3A_260 = vector.broadcast %mul3A_259 : i32 to vector<16xi32>
        %mul3A_261 = arith.muli %min3A_176, %mul3A_260 : vector<16xi32>
        %add3A_262 = vector.broadcast %mul3A_55 : i32 to vector<16xi32>
        %add3A_263 = arith.addi %add3A_262, %mul3A_261 : vector<16xi32>
        %add3A_264 = arith.addi %add3A_263, %min3A_158 : vector<16xi32>
        %and3A_265 = arith.andi %eq3A_177, %eq3A_180 : vector<16xi1>
        %mul3A_266 = arith.mulf %sub3A_143, %sub3A_140 : vector<16xf32>
        %jit3A_267 = arith.constant 0.000000e+00 : f32
        %broadcast_in_dim3A_268 = vector.broadcast %jit3A_267 : f32 to vector<16xf32>
        %select_n3A_269 = arith.select %and3A_265, %mul3A_266, %broadcast_in_dim3A_268 : vector<16xi1>, vector<16xf32>
        %add3A_270 = arith.constant 32 : i32
        %add3A_271 = arith.addi %add3A_270, %select_n3A_204 : i32
        %swap3A_272 = arith.index_cast %add3A_271 : i32 to index
        %swap3A_273 = arith.index_cast %mul3A_209 : i32 to index
        %swap3A_274 = tpu.vector_load %arg8[%swap3A_272, %swap3A_273] {strides = array<i32>} : memref<64x128xi32, #tpu.memory_space<vmem>>, vector<1x16xi32>,
        %swap3A_275 = vector.shape_cast %swap3A_274 : vector<1x16xi32> to vector<16xi32>
        %swap3A_276 = vector.shape_cast %add3A_264 : vector<16xi32> to vector<1x16xi32>
        tpu.vector_store %arg8[%swap3A_272, %swap3A_273], %swap3A_276 {strides = array<i32>} : memref<64x128xi32, #tpu.memory_space<vmem>>, vector<1x16xi32>,
        %add3A_277 = arith.constant 32 : i32
        %add3A_278 = arith.addi %add3A_277, %select_n3A_204 : i32
        %swap3A_279 = arith.index_cast %add3A_278 : i32 to index
        %swap3A_280 = arith.index_cast %mul3A_209 : i32 to index
        %swap3A_281 = tpu.vector_load %arg9[%swap3A_279, %swap3A_280] {strides = array<i32>} : memref<64x128xf32, #tpu.memory_space<vmem>>, vector<1x16xf32>,
        %swap3A_282 = vector.shape_cast %swap3A_281 : vector<1x16xf32> to vector<16xf32>
        %swap3A_283 = vector.shape_cast %select_n3A_269 : vector<16xf32> to vector<1x16xf32>
        tpu.vector_store %arg9[%swap3A_279, %swap3A_280], %swap3A_283 {strides = array<i32>} : memref<64x128xf32, #tpu.memory_space<vmem>>, vector<1x16xf32>,
        %mul3A_284 = arith.constant 512 : i32
        %mul3A_285 = vector.broadcast %mul3A_284 : i32 to vector<16xi32>
        %mul3A_286 = arith.muli %min3A_176, %mul3A_285 : vector<16xi32>
        %add3A_287 = vector.broadcast %mul3A_55 : i32 to vector<16xi32>
        %add3A_288 = arith.addi %add3A_287, %mul3A_286 : vector<16xi32>
        %add3A_289 = arith.addi %add3A_288, %min3A_164 : vector<16xi32>
        %and3A_290 = arith.andi %eq3A_178, %eq3A_180 : vector<16xi1>
        %mul3A_291 = arith.mulf %sub3A_138, %sub3A_140 : vector<16xf32>
        %jit3A_292 = arith.constant 0.000000e+00 : f32
        %broadcast_in_dim3A_293 = vector.broadcast %jit3A_292 : f32 to vector<16xf32>
        %select_n3A_294 = arith.select %and3A_290, %mul3A_291, %broadcast_in_dim3A_293 : vector<16xi1>, vector<16xf32>
        %add3A_295 = arith.constant 48 : i32
        %add3A_296 = arith.addi %add3A_295, %select_n3A_204 : i32
        %swap3A_297 = arith.index_cast %add3A_296 : i32 to index
        %swap3A_298 = arith.index_cast %mul3A_209 : i32 to index
        %swap3A_299 = tpu.vector_load %arg8[%swap3A_297, %swap3A_298] {strides = array<i32>} : memref<64x128xi32, #tpu.memory_space<vmem>>, vector<1x16xi32>,
        %swap3A_300 = vector.shape_cast %swap3A_299 : vector<1x16xi32> to vector<16xi32>
        %swap3A_301 = vector.shape_cast %add3A_289 : vector<16xi32> to vector<1x16xi32>
        tpu.vector_store %arg8[%swap3A_297, %swap3A_298], %swap3A_301 {strides = array<i32>} : memref<64x128xi32, #tpu.memory_space<vmem>>, vector<1x16xi32>,
        %add3A_302 = arith.constant 48 : i32
        %add3A_303 = arith.addi %add3A_302, %select_n3A_204 : i32
        %swap3A_304 = arith.index_cast %add3A_303 : i32 to index
        %swap3A_305 = arith.index_cast %mul3A_209 : i32 to index
        %swap3A_306 = tpu.vector_load %arg9[%swap3A_304, %swap3A_305] {strides = array<i32>} : memref<64x128xf32, #tpu.memory_space<vmem>>, vector<1x16xf32>,
        %swap3A_307 = vector.shape_cast %swap3A_306 : vector<1x16xf32> to vector<16xf32>
        %swap3A_308 = vector.shape_cast %select_n3A_294 : vector<16xf32> to vector<1x16xf32>
        tpu.vector_store %arg9[%swap3A_304, %swap3A_305], %swap3A_308 {strides = array<i32>} : memref<64x128xf32, #tpu.memory_space<vmem>>, vector<1x16xf32>,
      }
      %scan3A_61 = arith.constant 128 : i32
      %scan3A_62 = arith.constant 0 : i32
      %scan3A_63 = arith.constant 0 : i32
      %scan3A_64 = arith.constant 64 : i32
      %scan3A_65 = arith.addi %scan3A_63, %scan3A_64 : i32
      %scan3A_66 = arith.constant 1 : i32
      scf.for %scan3A_68 = %scan3A_63 to %scan3A_65 step %scan3A_66  : i32 {
        "tpu.region"() ({
          %run_scoped3A_69 = tpu.sem_alloc : memref<!tpu.dma_semaphore, #tpu.memory_space<semaphore_mem>>
          %dma_start3A = arith.constant 0 : i32
          %dma_start3A_70 = tpu.memref_slice %arg9[%scan3A_68, %dma_start3A] : memref<64x128xf32, #tpu.memory_space<vmem>> -> memref<1x128xf32, #tpu.memory_space<vmem>>
          %dma_start3A_71 = tpu.memref_squeeze %dma_start3A_70 : memref<1x128xf32, #tpu.memory_space<vmem>> -> memref<128xf32, #tpu.memory_space<vmem>>
          %dma_start3A_72 = arith.constant 0 : i32
          %dma_start3A_73 = tpu.memref_slice %arg8[%scan3A_68, %dma_start3A_72] : memref<64x128xi32, #tpu.memory_space<vmem>> -> memref<1x128xi32, #tpu.memory_space<vmem>>
          %dma_start3A_74 = tpu.memref_squeeze %dma_start3A_73 : memref<1x128xi32, #tpu.memory_space<vmem>> -> memref<128xi32, #tpu.memory_space<vmem>>
          %dma_start3A_75 = arith.constant 0 : i32
          %dma_start3A_76 = tpu.memref_slice %arg5[%dma_start3A_75] : memref<1048576xf32, #tpu.memory_space<vmem_shared>> -> memref<1048576xf32, #tpu.memory_space<vmem_shared>>
          tpu.enqueue_indirect_dma source(%dma_start3A_71 : memref<128xf32, #tpu.memory_space<vmem>>) target(%dma_start3A_76 : memref<1048576xf32, #tpu.memory_space<vmem_shared>>) offsets(%dma_start3A_74 : memref<128xi32, #tpu.memory_space<vmem>>) semaphore(%run_scoped3A_69 : memref<!tpu.dma_semaphore, #tpu.memory_space<semaphore_mem>>) {add = true}
          %dma_wait3A = arith.constant 0 : i32
          %dma_wait3A_77 = tpu.memref_slice %arg9[%scan3A_68, %dma_wait3A] : memref<64x128xf32, #tpu.memory_space<vmem>> -> memref<1x128xf32, #tpu.memory_space<vmem>>
          %dma_wait3A_78 = tpu.memref_squeeze %dma_wait3A_77 : memref<1x128xf32, #tpu.memory_space<vmem>> -> memref<128xf32, #tpu.memory_space<vmem>>
          %dma_wait3A_79 = arith.constant 0 : i32
          %dma_wait3A_80 = tpu.memref_slice %arg8[%scan3A_68, %dma_wait3A_79] : memref<64x128xi32, #tpu.memory_space<vmem>> -> memref<1x128xi32, #tpu.memory_space<vmem>>
          %dma_wait3A_81 = tpu.memref_squeeze %dma_wait3A_80 : memref<1x128xi32, #tpu.memory_space<vmem>> -> memref<128xi32, #tpu.memory_space<vmem>>
          %dma_wait3A_82 = arith.constant 0 : i32
          %dma_wait3A_83 = tpu.memref_slice %arg5[%dma_wait3A_82] : memref<1048576xf32, #tpu.memory_space<vmem_shared>> -> memref<1048576xf32, #tpu.memory_space<vmem_shared>>
          tpu.wait_indirect_dma semaphore(%run_scoped3A_69 : memref<!tpu.dma_semaphore, #tpu.memory_space<semaphore_mem>>) src(%dma_wait3A_78 : memref<128xf32, #tpu.memory_space<vmem>>) dst(%dma_wait3A_83 : memref<1048576xf32, #tpu.memory_space<vmem_shared>>)
          tpu.yield
        }) : () -> ()
      }
      %scan3A_67 = arith.constant 64 : i32
    }
    %scan3A_7 = arith.constant 32 : i32
    %barrier3A_8 = arith.constant 0 : index
    tpu.barrier barrier_id(%barrier3A_8)
    %scan3A_9 = arith.constant 0 : i32
    %scan3A_10 = arith.constant 0 : i32
    %scan3A_11 = arith.constant 8 : i32
    %scan3A_12 = arith.addi %scan3A_10, %scan3A_11 : i32
    %scan3A_13 = arith.constant 1 : i32
    scf.for %scan3A_15 = %scan3A_10 to %scan3A_12 step %scan3A_13  : i32 {
      %mul3A_16 = arith.constant 65536 : i32
      %mul3A_17 = arith.muli %arg1, %mul3A_16 : i32
      %mul3A_18 = arith.constant 8192 : i32
      %mul3A_19 = arith.muli %scan3A_15, %mul3A_18 : i32
      %add3A = arith.addi %mul3A_17, %mul3A_19 : i32
      "tpu.region"() ({
        %run_scoped3A = tpu.sem_alloc : memref<!tpu.dma_semaphore, #tpu.memory_space<semaphore_mem>>
        %dma_start3A = tpu.memref_slice %arg5[%add3A] : memref<1048576xf32, #tpu.memory_space<vmem_shared>> -> memref<8192xf32, #tpu.memory_space<vmem_shared>>
        %dma_start3A_64 = tpu.memref_slice %arg5[%add3A] : memref<1048576xf32, #tpu.memory_space<vmem_shared>> -> memref<8192xf32, #tpu.memory_space<vmem_shared>>
        tpu.enqueue_dma source(%dma_start3A_64 : memref<8192xf32, #tpu.memory_space<vmem_shared>>) target(%arg10 : memref<8192xf32, #tpu.memory_space<vmem>>) target_semaphore(%run_scoped3A : memref<!tpu.dma_semaphore, #tpu.memory_space<semaphore_mem>>)
        %dma_wait3A = tpu.memref_slice %arg5[%add3A] : memref<1048576xf32, #tpu.memory_space<vmem_shared>> -> memref<8192xf32, #tpu.memory_space<vmem_shared>>
        %dma_wait3A_65 = tpu.memref_slice %arg5[%add3A] : memref<1048576xf32, #tpu.memory_space<vmem_shared>> -> memref<8192xf32, #tpu.memory_space<vmem_shared>>
        tpu.wait_dma2 semaphore(%run_scoped3A : memref<!tpu.dma_semaphore, #tpu.memory_space<semaphore_mem>>) src(%dma_wait3A_65 : memref<8192xf32, #tpu.memory_space<vmem_shared>>) dst(%arg10 : memref<8192xf32, #tpu.memory_space<vmem>>)
        tpu.yield
      }) : () -> ()
      %scan3A_20 = arith.constant 0 : i32
      %scan3A_21 = arith.constant 0 : i32
      %scan3A_22 = arith.constant 512 : i32
      %scan3A_23 = arith.addi %scan3A_21, %scan3A_22 : i32
      %scan3A_24 = arith.constant 1 : i32
      scf.for %scan3A_64 = %scan3A_21 to %scan3A_23 step %scan3A_24  : i32 {
        %mul3A_65 = arith.constant 16 : i32
        %mul3A_66 = arith.muli %scan3A_64, %mul3A_65 : i32
        %get3A = arith.index_cast %mul3A_66 : i32 to index
        %get3A_67 = tpu.vector_load %arg10[%get3A] {strides = array<i32>} : memref<8192xf32, #tpu.memory_space<vmem>>, vector<16xf32>,
        %get3A_68 = vector.shape_cast %get3A_67 : vector<16xf32> to vector<16xf32>
        %gt3A = arith.constant 9.99999974E-6 : f32
        %gt3A_69 = vector.broadcast %gt3A : f32 to vector<16xf32>
        %gt3A_70 = arith.cmpf ogt, %get3A_68, %gt3A_69 : vector<16xf32>
        %jit3A_71 = arith.constant 1 : i32
        %jit3A_72 = arith.constant 0 : i32
        %broadcast_in_dim3A = vector.broadcast %jit3A_71 : i32 to vector<16xi32>
        %broadcast_in_dim3A_73 = vector.broadcast %jit3A_72 : i32 to vector<16xi32>
        %select_n3A_74 = arith.select %gt3A_70, %broadcast_in_dim3A, %broadcast_in_dim3A_73 : vector<16xi1>, vector<16xi32>
        %mul3A_75 = arith.constant 16 : i32
        %mul3A_76 = arith.muli %scan3A_64, %mul3A_75 : i32
        %swap3A = arith.index_cast %mul3A_76 : i32 to index
        %swap3A_77 = tpu.vector_load %arg11[%swap3A] {strides = array<i32>} : memref<8192xi32, #tpu.memory_space<vmem>>, vector<16xi32>,
        %swap3A_78 = vector.shape_cast %swap3A_77 : vector<16xi32> to vector<16xi32>
        %swap3A_79 = vector.shape_cast %select_n3A_74 : vector<16xi32> to vector<16xi32>
        tpu.vector_store %arg11[%swap3A], %swap3A_79 {strides = array<i32>} : memref<8192xi32, #tpu.memory_space<vmem>>, vector<16xi32>,
      }
      %scan3A_25 = arith.constant 512 : i32
      %mul3A_26 = arith.constant 4 : i32
      %mul3A_27 = arith.muli %arg0, %mul3A_26 : i32
      %jit3A = arith.constant 4 : i32
      %div3A = arith.divsi %arg1, %jit3A : i32
      %sign3A = arith.constant 0 : i32
      %sign3A_28 = arith.cmpi sgt, %arg1, %sign3A : i32
      %sign3A_29 = arith.extui %sign3A_28 : i1 to i32
      %sign3A_30 = arith.constant 0 : i32
      %sign3A_31 = arith.cmpi slt, %arg1, %sign3A_30 : i32
      %sign3A_32 = arith.extui %sign3A_31 : i1 to i32
      %sign3A_33 = arith.subi %sign3A_29, %sign3A_32 : i32
      %sign3A_34 = arith.constant 0 : i32
      %sign3A_35 = arith.cmpi sgt, %jit3A, %sign3A_34 : i32
      %sign3A_36 = arith.extui %sign3A_35 : i1 to i32
      %sign3A_37 = arith.constant 0 : i32
      %sign3A_38 = arith.cmpi slt, %jit3A, %sign3A_37 : i32
      %sign3A_39 = arith.extui %sign3A_38 : i1 to i32
      %sign3A_40 = arith.subi %sign3A_36, %sign3A_39 : i32
      %ne3A = arith.cmpi ne, %sign3A_33, %sign3A_40 : i32
      %rem3A = arith.remsi %arg1, %jit3A : i32
      %ne3A_41 = arith.constant 0 : i32
      %ne3A_42 = arith.cmpi ne, %rem3A, %ne3A_41 : i32
      %and3A = arith.andi %ne3A, %ne3A_42 : i1
      %sub3A = arith.constant 1 : i32
      %sub3A_43 = arith.subi %div3A, %sub3A : i32
      %select_n3A = arith.select %and3A, %sub3A_43, %div3A : i32
      %add3A_44 = arith.addi %mul3A_27, %select_n3A : i32
      %jit3A_45 = arith.constant 4 : i32
      %eq3A = arith.constant 0 : i32
      %eq3A_46 = arith.cmpi eq, %jit3A_45, %eq3A : i32
      %jit3A_47 = arith.constant 1 : i32
      %select_n3A_48 = arith.select %eq3A_46, %jit3A_47, %jit3A_45 : i32
      %rem3A_49 = arith.remsi %arg1, %select_n3A_48 : i32
      %ne3A_50 = arith.constant 0 : i32
      %ne3A_51 = arith.cmpi ne, %rem3A_49, %ne3A_50 : i32
      %lt3A = arith.constant 0 : i32
      %lt3A_52 = arith.cmpi slt, %rem3A_49, %lt3A : i32
      %lt3A_53 = arith.constant 0 : i32
      %lt3A_54 = arith.cmpi slt, %select_n3A_48, %lt3A_53 : i32
      %ne3A_55 = arith.xori %lt3A_52, %lt3A_54 : i1
      %and3A_56 = arith.andi %ne3A_55, %ne3A_51 : i1
      %add3A_57 = arith.addi %rem3A_49, %select_n3A_48 : i32
      %select_n3A_58 = arith.select %and3A_56, %add3A_57, %rem3A_49 : i32
      %mul3A_59 = arith.constant 65536 : i32
      %mul3A_60 = arith.muli %select_n3A_58, %mul3A_59 : i32
      %mul3A_61 = arith.constant 8192 : i32
      %mul3A_62 = arith.muli %scan3A_15, %mul3A_61 : i32
      %add3A_63 = arith.addi %mul3A_60, %mul3A_62 : i32
      "tpu.region"() ({
        %run_scoped3A = tpu.sem_alloc : memref<!tpu.dma_semaphore, #tpu.memory_space<semaphore_mem>>
        %dma_start3A = tpu.memref_slice %arg4[%add3A_44, %add3A_63] : memref<8x262144xi32, #tpu.memory_space<hbm>> -> memref<1x8192xi32, #tpu.memory_space<hbm>>
        %dma_start3A_64 = tpu.memref_squeeze %dma_start3A : memref<1x8192xi32, #tpu.memory_space<hbm>> -> memref<8192xi32, #tpu.memory_space<hbm>>
        %dma_start3A_65 = tpu.memref_slice %arg4[%add3A_44, %add3A_63] : memref<8x262144xi32, #tpu.memory_space<hbm>> -> memref<1x8192xi32, #tpu.memory_space<hbm>>
        %dma_start3A_66 = tpu.memref_squeeze %dma_start3A_65 : memref<1x8192xi32, #tpu.memory_space<hbm>> -> memref<8192xi32, #tpu.memory_space<hbm>>
        tpu.enqueue_dma source(%arg11 : memref<8192xi32, #tpu.memory_space<vmem>>) target(%dma_start3A_66 : memref<8192xi32, #tpu.memory_space<hbm>>) target_semaphore(%run_scoped3A : memref<!tpu.dma_semaphore, #tpu.memory_space<semaphore_mem>>)
        %dma_wait3A = tpu.memref_slice %arg4[%add3A_44, %add3A_63] : memref<8x262144xi32, #tpu.memory_space<hbm>> -> memref<1x8192xi32, #tpu.memory_space<hbm>>
        %dma_wait3A_67 = tpu.memref_squeeze %dma_wait3A : memref<1x8192xi32, #tpu.memory_space<hbm>> -> memref<8192xi32, #tpu.memory_space<hbm>>
        %dma_wait3A_68 = tpu.memref_slice %arg4[%add3A_44, %add3A_63] : memref<8x262144xi32, #tpu.memory_space<hbm>> -> memref<1x8192xi32, #tpu.memory_space<hbm>>
        %dma_wait3A_69 = tpu.memref_squeeze %dma_wait3A_68 : memref<1x8192xi32, #tpu.memory_space<hbm>> -> memref<8192xi32, #tpu.memory_space<hbm>>
        tpu.wait_dma2 semaphore(%run_scoped3A : memref<!tpu.dma_semaphore, #tpu.memory_space<semaphore_mem>>) src(%arg11 : memref<8192xi32, #tpu.memory_space<vmem>>) dst(%dma_wait3A_69 : memref<8192xi32, #tpu.memory_space<hbm>>)
        tpu.yield
      }) : () -> ()
    }
    %scan3A_14 = arith.constant 8 : i32
    return
  }
}

</mosaic_0001>

<sc_bundles>
// kernel: kernel.3.cloned.1.call-start
scs
__scs_entry_jumppad:
0x0: {  	(pc) =	sbr.rel $0x88, $3  }
0x1: {  	(tag) =	ssettag $0x0;
	lr =	simm.s32 $0x1  }
0x2: {  	[smem:$0x3FA0] =	sst lr;
	_ =	strace $0xD0000000  }
0x3: {  	_ = 	snop  }
0x4: {  	_ = 	snop  }
0x5: {  	_ = 	snop  }
0x6: {  	_ = 	snop  }
0x7: {  	_ = 	snop  }
__scs_overlays_trampoline_lowered:
0x8: {  	[smem:$0x3FAF] =	sst s0  }
0x9: {  	[smem:$0x3FB0] =	sst s1  }
0xa: {  	[smem:$0x3FB1] =	sst s2  }
0xb: {  	[smem:$0x3FB2] =	sst s3  }
0xc: {  	[smem:$0x3FB3] =	sst s4  }
0xd: {  	[smem:$0x3FB4] =	sst s5  }
0xe: {  	[smem:$0x3FB5] =	sst s6  }
0xf: {  	[smem:$0x3FB6] =	sst s7  }
0x10: {  	[smem:$0x3FB7] =	sst s8  }
0x11: {  	[smem:$0x3FB8] =	sst s9;
	s0 =	simm.s32 @!p0 $0x0  }
0x12: {  	s1 =	sld [smem:$0x3F9E];
	s0 =	simm.s32 @p0 $0x1  }
0x13: {  	[smem:$0x3FB9] =	sst s0;
	s0 =	simm.s32 @!p1 $0x0  }
0x14: {  	s2 =	sld [smem:$0x3F9D];
	s0 =	simm.s32 @p1 $0x1  }
0x15: {  	[smem:$0x3FBA] =	sst s0;
	s0 =	simm.s32 @!p2 $0x0  }
0x16: {  	s3 =	sld [smem:$0x3FDB];
	s0 =	simm.s32 @p2 $0x1  }
0x17: {  	s4 =	simm.s32 $0x1BF5;
	[smem:$0x3FBC] =	sst s0  }
0x18: {  	s0 =	sld [smem:$0x3F9F];
	_ =	swait.ge [sflag:s4], $0x0  }
0x19: {  	s7 =	sld [smem:$0x3FA0]  }
0x1a: {  	s8 =	sadd.s32 $0xFFFFE003, lr  }
0x1b: {  	s9 =	sadd.s32 $0xFFFFFEF7, lr;
	s5 =	simm.s32 $0xFFFFFFFF;
	p2 =	slt.u32 s8, $0xFFFFF086  }
0x1c: {  	p1 =	slt.u32 s9, $0xF7A;
	s5 =	simm.s32 @!p2 $0x0  }
0x1d: {  	s5 =	simm.s32 @p1 $0x1;
	p0 =	seq.s32 s7, s2  }
0x1e: {  	s7 =	smul.u32 @!p0 $0xF7A, s2;
	p2 =	seq.s32 @!p0 s5, $0x0  }
0x1f: {  	s9 =	smul.u32 $0xF7A, s1;
	s8 =	simm.s32 @!p0 $0x1BF5;
	p2 =	por !p2, p0  }
0x20: {  	[sflag:s8] =	ssyncset.s32 @!p0 $0xFFFFF086;
	s6 =	sadd.s32 @!p0 s3, s7;
	s7 =	simm.s32 @!p0 $0x108  }
0x21: {  	s3 =	sadd.s32 s3, s9;
	s6 =	sadd.s32 @!p0 $0x88, s6;
	s7 =	simm.s32 @p2 $0x1082  }
0x22: {  	[simem:s7], [sflag:s8] =	dma.local @!p0 [hbm:s6], $0xF7A  }
0x23: {  	s9 =	sor.u32 $0xD0000000, s2;
	s6 =	simm.s32 $0x108;
	_ =	swait.ge @!p0 [sflag:s8], $0x0  }
0x24: {  	s3 =	sadd.s32 $0x88, s3;
	s6 =	simm.s32 @!p1 $0x1082;
	[sflag:s4] =	ssyncset.s32 $0xFFFFF086  }
0x25: {  	[simem:s6], [sflag:s4] =	dma.local [hbm:s3], $0xF7A  }
0x26: {  	[smem:$0x3FA0] =	sst s1;
	(tag) =	ssettag s2;
	_ =	strace s9  }
0x27: {  	s1 =	sld [smem:$0x3FB0]  }
0x28: {  	s2 =	sld [smem:$0x3FB1]  }
0x29: {  	s4 =	sld [smem:$0x3FB3]  }
0x2a: {  	p0 =	seq.s32 s5, $0x0;
	s5 =	sld [smem:$0x3FB4]  }
0x2b: {  	s6 =	sld [smem:$0x3FB5]  }
0x2c: {  	s7 =	sld [smem:$0x3FB6]  }
0x2d: {  	s3 =	simm.s32 $0x108;
	s8 =	sld [smem:$0x3FB7]  }
0x2e: {  	s3 =	simm.s32 @!p0 $0x1082;
	s9 =	sld [smem:$0x3FB8]  }
0x2f: {  	lr =	sadd.s32 s0, s3;
	s0 =	sld [smem:$0x3FAF]  }
0x30: {  	s3 =	sld [smem:$0x3FB2]  }
0x31: {  	[smem:$0x3FBB] =	sst s10  }
0x32: {  	s10 =	sld [smem:$0x3FB9];
	_ =	sdelay $0x3  }
0x33: {  	p0 =	seq.s32 s10, $0x1;
	s10 =	sld [smem:$0x3FBB];
	_ =	sdelay $0x3  }
0x34: {  	[smem:$0x3FBB] =	sst s10  }
0x35: {  	s10 =	sld [smem:$0x3FBA];
	_ =	sdelay $0x3  }
0x36: {  	p1 =	seq.s32 s10, $0x1;
	s10 =	sld [smem:$0x3FBB];
	_ =	sdelay $0x3  }
0x37: {  	[smem:$0x3FBB] =	sst s10  }
0x38: {  	s10 =	sld [smem:$0x3FBC]  }
0x39: {  	_ = 	snop;
	(pc) =	sbr.ind lr, $3  }
0x3a: {  	_ = 	snop  }
0x3b: {  	_ = 	snop  }
0x3c: {  	p2 =	seq.s32 s10, $0x1;
	s10 =	sld [smem:$0x3FBB]  }
0x3d: {  	_ =	shalt  }
0x3e: {  	_ =	shalt  }
0x3f: {  	_ =	shalt  }
0x40: {  	_ =	shalt  }
0x41: {  	_ =	shalt  }
0x42: {  	_ =	shalt  }
0x43: {  	_ =	shalt  }
0x44: {  	_ =	shalt  }
0x45: {  	_ =	shalt  }
0x46: {  	_ =	shalt  }
0x47: {  	_ =	shalt  }
0x48: {  	_ =	shalt  }
0x49: {  	_ =	shalt  }
0x4a: {  	_ =	shalt  }
0x4b: {  	_ =	shalt  }
0x4c: {  	_ =	shalt  }
0x4d: {  	_ =	shalt  }
0x4e: {  	_ =	shalt  }
0x4f: {  	_ =	shalt  }
0x50: {  	_ =	shalt  }
0x51: {  	_ =	shalt  }
0x52: {  	_ =	shalt  }
0x53: {  	_ =	shalt  }
0x54: {  	_ =	shalt  }
0x55: {  	_ =	shalt  }
0x56: {  	_ =	shalt  }
0x57: {  	_ =	shalt  }
0x58: {  	_ =	shalt  }
0x59: {  	_ =	shalt  }
0x5a: {  	_ =	shalt  }
0x5b: {  	_ =	shalt  }
0x5c: {  	_ =	shalt  }
0x5d: {  	_ =	shalt  }
0x5e: {  	_ =	shalt  }
0x5f: {  	_ =	shalt  }
0x60: {  	_ =	shalt  }
0x61: {  	_ =	shalt  }
0x62: {  	_ =	shalt  }
0x63: {  	_ =	shalt  }
0x64: {  	_ =	shalt  }
0x65: {  	_ =	shalt  }
0x66: {  	_ =	shalt  }
0x67: {  	_ =	shalt  }
0x68: {  	_ =	shalt  }
0x69: {  	_ =	shalt  }
0x6a: {  	_ =	shalt  }
0x6b: {  	_ =	shalt  }
0x6c: {  	_ =	shalt  }
0x6d: {  	_ =	shalt  }
0x6e: {  	_ =	shalt  }
0x6f: {  	_ =	shalt  }
0x70: {  	_ =	shalt  }
0x71: {  	_ =	shalt  }
0x72: {  	_ =	shalt  }
0x73: {  	_ =	shalt  }
0x74: {  	_ =	shalt  }
0x75: {  	_ =	shalt  }
0x76: {  	_ =	shalt  }
0x77: {  	_ =	shalt  }
0x78: {  	_ =	shalt  }
0x79: {  	_ =	shalt  }
0x7a: {  	_ =	shalt  }
0x7b: {  	_ =	shalt  }
0x7c: {  	_ =	shalt  }
0x7d: {  	_ =	shalt  }
0x7e: {  	_ =	shalt  }
0x7f: {  	_ =	shalt  }
0x80: {  	_ =	shalt  }
0x81: {  	_ =	shalt  }
0x82: {  	_ =	shalt  }
0x83: {  	_ =	shalt  }
0x84: {  	_ =	shalt  }
0x85: {  	_ =	shalt  }
0x86: {  	_ =	shalt  }
0x87: {  	_ =	shalt  }
.Lfunc_end0:
.L_simem_size_0:
called_computation_lowered:
.L_overlay_start_0:
0x88: {  	s2 =	sld [smem:$0x3FD9]  }
0x89: {  	s3 =	sld [smem:$0x3FFE];
	_ =	sdelay $0x1  }
0x8a: {  	s1 =	srdreg.scid  }
0x8b: {  	s0 =	sand.u32 $0x1, s1  }
0x8c: {  	s16 =	sshll.u32 s0, $0xA;
	s2 =	sadd.s32 s3, s2  }
0x8d: {  	s2 =	sadd.s32 s2, s16  }
0x8e: {  	[smem:$0x3FC7] =	sst s2  }
0x8f: {  	_ = 	snop  }
0x90: {  	(tm) =	ssettm $0x1  }
0x91: {  	s17 =	sld [smem:$0x3FFB];
	_ =	sdelay $0x3  }
0x92: {  	_ =	strace s17  }
0x93: {  	s2 =	sld [smem:$0x3FFC];
	_ =	sdelay $0x3  }
0x94: {  	_ =	strace s2  }
0x95: {  	s2 =	sld [smem:$0x3FFD];
	_ =	sdelay $0x3  }
0x96: {  	_ =	strace s2  }
0x97: {  	_ =	strace $0x8FFFFFFF  }
0x98: {  	s18 =	sld [smem:$0x3FDB];
	_ =	sdelay $0x1  }
0x99: {  	s19 =	simm.s32 $_scs_section_size  }
0x9a: {  	s4 =	simm.s32 $_size__tile_overlayer_lowered;
	s5 =	simm.s32 $_tile_overlayer_lowered  }
0x9b: {  	s22 =	simm.s32 $0x1BFF;
	s21 =	sshll.u32 s5, $0x1;
	s2 =	sadd.s32 s19, s18  }
0x9c: {  	s6 =	simm.s32 $0x0;
	s20 =	sshll.u32 s4, $0x1;
	s4 =	sadd.s32 s21, s2  }
0x9d: {  	[timem:s6], [sflag:s22] =	dma.local [hbm:s4], s20  }
0x9e: {  	_ =	swait.ge [sflag:s22], s20  }
0x9f: {  	s3 =	ssub.s32 $0x0, s20;
	[sflag:s22] =	ssyncset.done $0x0  }
0xa0: {  	[sflag:s22] =	ssyncadd.s32 s3;
	_ =	sdelay $0x1  }
0xa1: {  	s23 =	simm.s32 $0x1B8B  }
0xa2: {  	_ =	swait.ge [sflag:s23], $0x1  }
0xa3: {  	[sflag:s23] =	ssyncset.done $0x0  }
0xa4: {  	s25 =	simm.s32 $0x1B8E;
	s24 =	sld [smem:$0x3FFE];
	[sflag:s23] =	ssyncadd.s32 $0xFFFFFFFF  }
0xa5: {  	s26 =	simm.s32 $execute0_lowered;
	[smem:$0x3FD2] =	sst s25  }
0xa6: {  	s4 =	sshll.u32 s26, $0x1;
	_ =	strace $0x80000046;
	[dreg:$0x1] =	wrdreg $0xFFFFFFFF  }
0xa7: {  	s28 =	simm.s32 $_size_execute0_lowered;
	s2 =	sadd.s32 s2, s4;
	[dreg:$0x0] =	wrdreg $0x0  }
0xa8: {  	s4 =	sshll.u32 s28, $0x1;
	[dreg:$0x2] =	wrdreg s2  }
0xa9: {  	[dreg:$0x3] =	wrdreg s4  }
0xaa: {  	[dreg:$0x4] =	wrdreg $0xC0  }
0xab: {  	_ =	task [dreg:s6], $0x5FFFF  }
0xac: {  	[dreg:$0x1] =	wrdreg $0xFFFFFFFF  }
0xad: {  	[dreg:$0x0] =	wrdreg $0x60  }
0xae: {  	[dreg:$0x2] =	wrdreg s24  }
0xaf: {  	[dreg:$0x3] =	wrdreg $0x0  }
0xb0: {  	[dreg:$0x4] =	wrdreg $0x9  }
0xb1: {  	_ =	task.clear_ibuf [dreg:s6], $0x5FFFF;
	_ =	strace $0x90000046  }
0xb2: {  	s29 =	simm.s32 $0x9;
	_ =	strace $0x80000048  }
0xb3: {  	_ =	swait.ge [sflag:s29], $0x1  }
0xb4: {  	[sflag:s29] =	ssyncadd.s32 $0xFFFFFFFF  }
0xb5: {  	_ =	strace $0x90000048  }
0xb6: {  	_ =	sfence  }
0xb7: {  	s30 =	sld [smem:$0x0];
	_ =	sdelay $0x2  }
0xb8: {  	s31 =	sshll.u32 s1, $0xD;
	s1 =	sshrl.u32 s1, $0x2  }
0xb9: {  	s3 =	sand.u32 $0x4000, s31;
	s1 =	sadd.s32 s1, s30  }
0xba: {  	s0 =	sor.u32 s3, s0;
	s1 =	sshll.u32 s1, $0x11  }
0xbb: {  	s0 =	sor.u32 s1, s0  }
0xbc: {  	s0 =	sadd.s32 $0x8F2B, s0  }
0xbd: {  	[sflag:s0] =	ssyncadd.remote.s32 $0x1  }
0xbe: {  	_ =	sfence.sel $0xFFFF  }
0xbf: {  	[dreg:$0x0] =	wrdreg $0xFFFFFFFF;
	(pc) =	sbr.abs _section_cstart, $3  }
0xc0: {  	[dreg:$0x1] =	wrdreg $0xFFFFFFFF  }
0xc1: {  	_ =	task.clear_ibuf [dreg:s6], $0x2FFFF;
	_ =	strace $0x9FFFFFFF  }
0xc2: {  	(tm) =	ssettm $0x7FFFFFFF  }
0xc3: {  	_ =	shalt  }
tec
execute0_lowered:
.L_overlay_start_1:
0x0: {  	(tag) =	ssettag $0x1  }
0x1: {  	s0 =	rddreg [dreg:$0x0]  }
0x2: {  	s1 =	rddreg [dreg:$0x1];
	s14 =	simm.s32 $0x0;
	s3 =	stileid.u32  }
0x3: {  	s2 =	srdreg.scid;
	s15 =	simm.s32 $0x1;
	s16 =	simm.s32 $0x80  }
0x4: {  	s17 =	simm.s32 $0x100;
	s19 =	simm.s32 $0x10800;
	s20 =	simm.s32 $0x15000  }
0x5: {  	s21 =	simm.s32 $0x400;
	s22 =	simm.s32 $0x17000;
	[smem:$0x7FF] =	sst s14  }
0x6: {  	s4 =	sadd.s32 $0x400, s0;
	s5 =	sshll.u32 s3, $0xD;
	s2 =	sand.u32 $0x1, s2  }
0x7: {  	s25 =	sshll.u32 s3, $0x2;
	s26 =	sshll.u32 s3, $0x6;
	s11 =	sadd.s32 $0x410, s0  }
0x8: {  	_ =	strace $0x80000047;
	s7 =	sadd.s32 s5, s0;
	s24 =	sshll.u32 s2, $0x6  }
0x9: {  	s6 =	ssub.s32 $0x2, s2;
	s5 =	sshll.u32 s3, $0x10;
	s10 =	sshll.u32 s2, $0x15  }
0xa: {  	s8 =	sadd.s32 s24, s0;
	s9 =	sshrl.u32 s6, $0x1;
	s7 =	sadd.s32 $0x80400, s7  }
0xb: {  	s28 =	sand.u32 $0x30000, s5;
	s13 =	ssub.s32 s6, s9;
	s6 =	sadd.s32 s5, s1  }
0xc: {  	[dreg:$0x4] =	wrdreg s7;
	s9 =	sand.u32 $0x30, s25;
	s7 =	sor.u32 $0x1C01, s26  }
0xd: {  	[dreg:$0x5] =	wrdreg s7;
	s8 =	sadd.s32 s9, s8;
	s30 =	smax.u32 s13, $0x1  }
0xe: {  	s31 =	sshrl.u32 s6, $0x3;
	s29 =	sadd.s32 s28, s8;
	[dreg:$0x6] =	wrdreg s30  }
0xf: {  	v0 =	vlaneseq.u32;
	v1 =	vimm.s32 $0x0;
	s9 =	sshll.u32 s3, $0xE;
	[dreg:$0x7] =	wrdreg s31;
	s12 =	sadd.s32 $0xA0400, s29  }
.LBB2_1:
0x10: {  	[dreg:$0x3] =	wrdreg s14  }
0x11: {  	s0 =	rddreg [dreg:$0x4]  }
0x12: {  	s2 =	rddreg [dreg:$0x5]  }
0x13: {  	s3 =	rddreg [dreg:$0x7]  }
0x14: {  	[spmem:s3], [sflag:s2] =	dma.local [hbm:s0], $0x2000  }
0x15: {  	_ =	swait.ge [sflag:s15], $0x2000  }
0x16: {  	[sflag:s15] =	ssyncset.done $0x0  }
0x17: {  	[sflag:s15] =	ssyncadd.s32 $0xFFFFE000  }
0x18: {  	s23 =	simm.s32 $0x0;
	s24 =	simm.s32 $0x0;
	[bflag:$0x0] =	sbarrier.arrive $0xFFFF  }
.LBB2_2:
0x19: {  	s0 =	sshll.u32 s24, $0xB  }
0x1a: {  	s2 =	sshrl.u32 s24, $0x3;
	s0 =	sand.u32 $0x3800, s0  }
0x1b: {  	s7 =	sshll.u32 s2, $0x13;
	s0 =	sor.u32 s9, s0  }
0x1c: {  	s7 =	sadd.s32 s10, s7;
	s0 =	sshll.u32 s0, $0x1  }
0x1d: {  	s25 =	sand.u32 $0x7, s23;
	s0 =	sor.u32 s7, s0  }
0x1e: {  	s8 =	sshll.u32 s25, $0xD;
	s0 =	sshrl.u32 s0, $0x3  }
0x1f: {  	s3 =	simm.s32 $0x10000;
	s26 =	sadd.s32 s8, s5;
	s18 =	sadd.s32 s4, s0  }
0x20: {  	[tilespmem:s3], [sflag:$0x1] =	stream.strided.gather [hbm4b:s18+s16], $0x800, s17, s16, $0x38;
	[tilespmem:$0x19000] =	vst v63  }
0x21: {  	s8 =	sadd.s32 $0x0, s26;
	s7 =	sshll.u32 s25, $0xB;
	s3 =	simm.s32 $0x0  }
0x22: {  	p0 =	seq.s32 s8, $0x0;
	_ =	swait.ge [sflag:s15], $0x800;
	s13 =	sand.u32 $0x1F, s3  }
0x23: {  	s8 =	simm.s32 $0x1;
	[sflag:s15] =	ssyncset.done $0x0;
	p1 =	sne.s32 s13, $0x0  }
0x24: {  	s0 =	sadd.s32 s0, s11;
	[sflag:s15] =	ssyncadd.s32 $0xFFFFF800;
	p0 =	por !p1, !p0  }
0x25: {  	[tilespmem:s19], [sflag:$0x1] =	stream.strided.gather [hbm4b:s0+s16], $0x800, s17, s16, $0x38;
	[tilespmem:$0x19000] =	vst v63  }
0x26: {  	s25 =	sadd.s32 s7, s9;
	p0 =	por !p0, !p0;
	_ =	swait.ge [sflag:s15], $0x800  }
0x27: {  	s7 =	sshrl.u32 s25, $0x9;
	s8 =	simm.s32 @!p0 $0x0;
	[sflag:s15] =	ssyncset.done $0x0  }
0x28: {  	s18 =	simm.s32 $0x0;
	s14 =	ssub.s32 s7, s8;
	[sflag:s15] =	ssyncadd.s32 $0xFFFFF800  }
0x29: {  	s13 =	sshll.u32 s14, $0x9;
	v2 =	vld [tilespmem:s18+$0x10000]  }
0x2a: {  	s28 =	sadd.s32 $0x0, s25;
	s13 =	ssub.s32 s25, s13;
	v3 =	vld [tilespmem:s18+$0x10800]  }
0x2b: {  	s28 =	sshrl.u32 s28, $0x9;
	v4 =	vor.u32 s13, v0  }
0x2c: {  	s8 =	ssub.s32 s28, s8;
	v4 =	vcvt.s32.f32 v4  }
0x2d: {  	s8 =	scvt.s32.f32 s8  }
0x2e: {  	v2 =	vadd.f32 v4, v2  }
0x2f: {  	v3 =	vadd.f32 s8, v3  }
0x30: {  	v2 =	vmax.f32 v2, $-4.000000000e+00  }
0x31: {  	v4 =	vmin.f32 v2, $5.160000000e+02;
	v2 =	vmax.f32 v3, $-4.000000000e+00  }
0x32: {  	v6 =	vmin.f32 v2, $5.160000000e+02;
	v2 =	vtrunc.f32 v4  }
0x33: {  	v3 =	vcvt.f32.s32 v2;
	v5 =	vtrunc.f32 v6;
	vm0 =	vlt.f32 v4, v2  }
0x34: {  	s2 =	sshll.u32 s2, $0x12;
	v7 =	vcvt.f32.s32 v5;
	v8 =	vsel vm0, $0xFFFFFFFF, v1;
	vm0 =	vlt.f32 v6, v5  }
0x35: {  	v2 =	vmov s2;
	v9 =	vadd.s32 v3, v8;
	v3 =	vsel vm0, $0xFFFFFFFF, v1  }
0x36: {  	v7 =	vadd.s32 v7, v3;
	v3 =	vcvt.s32.f32 v9;
	vm0 =	vgt.s32 v9, $0x0  }
0x37: {  	v8 =	vcvt.s32.f32 v7;
	v10 =	vnsel vm0, $0x0, v9;
	vm0 =	vgt.s32 v7, $0x0  }
0x38: {  	v11 =	vadd.s32 $0x1, v9;
	v3 =	vsub.f32 v4, v3;
	v4 =	vnsel vm0, $0x0, v7  }
0x39: {  	v5 =	vadd.s32 $0x1, v7;
	v6 =	vsub.f32 v6, v8;
	v8 =	vmin.u32 v4, $0x1FF  }
0x3a: {  	vm1 =	vgt.s32 v11, $0x0;
	v4 =	vmin.u32 v10, $0x1FF;
	vm2 =	veq.s32 v7, v8  }
0x3b: {  	v7 =	vshll.u32 v8, $0x9;
	v8 =	vsub.f32 $1.000000000e+00, v3;
	v10 =	vsub.f32 $1.000000000e+00, v6  }
0x3c: {  	s0 =	simm.s32 $0x1;
	vm0 =	veq.s32 v9, v4;
	v12 =	vor.u32 v2, v7;
	v7 =	vnsel vm1, $0x0, v11  }
0x3d: {  	s29 =	simm.s32 $0x40;
	s30 =	sand.u32 $0x1F, s0;
	s28 =	sadd.s32 $0x40, s26;
	vm1 =	vgt.s32 v5, $0x0;
	vm3 =	vmand vm0, vm2;
	v14 =	vmul.f32 v10, v8  }
0x3e: {  	p6 =	sne.s32 s30, $0x0;
	s30 =	sadd.s32 $0x10, s25;
	p5 =	seq.s32 s28, $0x0;
	v13 =	vor.u32 v4, v12;
	v7 =	vmin.u32 v7, $0x1FF;
	v9 =	vmul.f32 v10, v3  }
0x3f: {  	s28 =	simm.s32 $0x10;
	p1 =	por !p6, !p5;
	s2 =	sand.u32 $0x3FFFF800, s3;
	[tilespmem:s18+$0x11000] =	vst v13;
	v10 =	vnsel vm1, $0x0, v5;
	vm1 =	veq.s32 v11, v7;
	v11 =	vnsel vm3, $0x0, v14  }
0x40: {  	s13 =	simm.s32 $0x80;
	s8 =	simm.s32 $0x13000;
	s31 =	sadd.s32 $0x11000, s2;
	v10 =	vmin.u32 v10, $0x1FF;
	vm2 =	vmand vm1, vm2;
	[tilespmem:s18+$0x13000] =	vst v11;
	v11 =	vor.u32 v7, v12  }
.LBB2_3:
0x41: {  	s7 =	sadd.s32 s28, s25;
	p0 =	por !p1, !p1  }
0x42: {  	s2 =	sadd.s32 s2, s8;
	v12 =	vshll.u32 v10, $0x9;
	v8 =	vmul.f32 v6, v8;
	v3 =	vmul.f32 v6, v3;
	s8 =	smov.u32 s13;
	s18 =	simm.s32 $0x1  }
0x43: {  	s14 =	sshrl.u32 s30, $0x9;
	vm3 =	veq.s32 v5, v10;
	v5 =	vnsel vm2, $0x0, v9;
	s3 =	sshrl.u32 s7, $0x9;
	s18 =	simm.s32 @!p0 $0x0;
	[tilespmem:s31+$0x800] =	vst v11;
	v6 =	vor.u32 v2, v12  }
0x44: {  	s7 =	sadd.s32 $0x40, s13;
	vm0 =	vmand vm0, vm3;
	s3 =	ssub.s32 s3, s18;
	s14 =	ssub.s32 s14, s18;
	[tilespmem:s2+$0x800] =	vst v5;
	v4 =	vor.u32 v4, v6;
	v5 =	vor.u32 v7, v6  }
0x45: {  	p0 =	sne.s32 s13, $0x1FC0;
	v6 =	vnsel vm0, $0x0, v8;
	vm0 =	vmand vm1, vm3;
	s13 =	sshll.u32 s14, $0x9;
	[tilespmem:s31+$0x1000] =	vst v4  }
0x46: {  	s13 =	ssub.s32 s30, s13;
	[tilespmem:s2+$0x1000] =	vst v6  }
0x47: {  	s3 =	scvt.s32.f32 s3;
	v3 =	vnsel vm0, $0x0, v3;
	v4 =	vor.u32 s13, v0;
	[tilespmem:s31+$0x1800] =	vst v5  }
0x48: {  	s13 =	sshra.s32 s29, $0x2;
	s29 =	smov.u32 s8;
	v4 =	vcvt.s32.f32 v4;
	[tilespmem:s2+$0x1800] =	vst v3  }
0x49: {  	s2 =	sand.u32 $0x3FFFF800, s28;
	s14 =	sadd.s32 $0x11000, s13;
	s8 =	sadd.s32 $0x13000, s13;
	v3 =	vld [tilespmem:s13+$0x10000]  }
0x4a: {  	s31 =	sadd.s32 s2, s14;
	v5 =	vld [tilespmem:s13+$0x10800];
	_ =	sdelay $0x3  }
0x4b: {  	v3 =	vadd.f32 v4, v3  }
0x4c: {  	v4 =	vadd.f32 s3, v5  }
0x4d: {  	v3 =	vmax.f32 v3, $-4.000000000e+00  }
0x4e: {  	v3 =	vmin.f32 v3, $5.160000000e+02;
	v4 =	vmax.f32 v4, $-4.000000000e+00  }
0x4f: {  	v4 =	vmin.f32 v4, $5.160000000e+02;
	v5 =	vtrunc.f32 v3  }
0x50: {  	v6 =	vcvt.f32.s32 v5;
	v7 =	vtrunc.f32 v4;
	vm0 =	vlt.f32 v3, v5  }
0x51: {  	v5 =	vcvt.f32.s32 v7;
	v8 =	vsel vm0, $0xFFFFFFFF, v1;
	vm0 =	vlt.f32 v4, v7  }
0x52: {  	v7 =	vadd.s32 v6, v8;
	v6 =	vsel vm0, $0xFFFFFFFF, v1  }
0x53: {  	v8 =	vadd.s32 v5, v6;
	v5 =	vcvt.s32.f32 v7;
	vm0 =	vgt.s32 v7, $0x0  }
0x54: {  	v6 =	vcvt.s32.f32 v8;
	v9 =	vnsel vm0, $0x0, v7;
	vm0 =	vgt.s32 v8, $0x0  }
0x55: {  	v3 =	vsub.f32 v3, v5;
	v5 =	vadd.s32 $0x1, v8;
	v10 =	vnsel vm0, $0x0, v8  }
0x56: {  	v11 =	vadd.s32 $0x1, v7;
	v6 =	vsub.f32 v4, v6;
	v10 =	vmin.u32 v10, $0x1FF  }
0x57: {  	v4 =	vmin.u32 v9, $0x1FF;
	vm2 =	veq.s32 v8, v10;
	v9 =	vshll.u32 v10, $0x9  }
0x58: {  	v8 =	vsub.f32 $1.000000000e+00, v3;
	v10 =	vsub.f32 $1.000000000e+00, v6;
	v12 =	vor.u32 v2, v9  }
.Ltmp0:
0x59: {  	vm1 =	vgt.s32 v11, $0x0;
	vm0 =	veq.s32 v7, v4;
	v7 =	vor.u32 v4, v12;
	(pc) =	sbr.rel @p0 .LBB2_3-.Ltmp0, $4  }
0x5a: {  	s0 =	sadd.s32 $0x1, s0;
	v13 =	vnsel vm1, $0x0, v11;
	v14 =	vmul.f32 v10, v8;
	[tilespmem:s13+$0x11000] =	vst v7;
	v9 =	vmul.f32 v10, v3  }
0x5b: {  	s14 =	sand.u32 $0x1F, s0;
	s3 =	sadd.s32 s29, s26;
	vm1 =	vgt.s32 v5, $0x0;
	vm3 =	vmand vm0, vm2;
	v7 =	vmin.u32 v13, $0x1FF  }
0x5c: {  	s30 =	sadd.s32 $0x10, s30;
	p2 =	sne.s32 s14, $0x0;
	p1 =	seq.s32 s3, $0x0;
	v10 =	vnsel vm1, $0x0, v5;
	vm1 =	veq.s32 v11, v7;
	v11 =	vnsel vm3, $0x0, v14  }
0x5d: {  	s28 =	sadd.s32 $0x10, s28;
	p1 =	por !p2, !p1;
	v10 =	vmin.u32 v10, $0x1FF;
	vm2 =	vmand vm1, vm2;
	[tilespmem:s13+$0x13000] =	vst v11;
	v11 =	vor.u32 v7, v12;
	s13 =	smov.u32 s7  }
0x5e: {  	v12 =	vshll.u32 v10, $0x9;
	v8 =	vmul.f32 v6, v8  }
0x5f: {  	s2 =	sadd.s32 s2, s8;
	vm3 =	veq.s32 v5, v10;
	v37 =	vnsel vm2, $0x0, v9;
	[tilespmem:s31+$0x800] =	vst v11;
	v38 =	vor.u32 v2, v12  }
0x60: {  	[tilespmem:s2+$0x800] =	vst v37;
	vm0 =	vmand vm0, vm3;
	v4 =	vor.u32 v4, v38  }
0x61: {  	v3 =	vmul.f32 v6, v3;
	v39 =	vnsel vm0, $0x0, v8;
	[tilespmem:s31+$0x1000] =	vst v4  }
0x62: {  	p0 =	por !p1, !p1;
	s3 =	simm.s32 $0x1;
	vm14 =	vmand vm1, vm3;
	v40 =	vor.u32 v7, v38;
	[tilespmem:s2+$0x1000] =	vst v39  }
0x63: {  	s0 =	sshrl.u32 s30, $0x9;
	s3 =	simm.s32 @!p0 $0x0;
	v3 =	vnsel vm14, $0x0, v3;
	[tilespmem:s31+$0x1800] =	vst v40  }
0x64: {  	s8 =	sshra.s32 s29, $0x2;
	s7 =	ssub.s32 s0, s3;
	[tilespmem:s2+$0x1800] =	vst v3  }
0x65: {  	s13 =	sshll.u32 s7, $0x9;
	v3 =	vld [tilespmem:s8+$0x10000]  }
0x66: {  	s14 =	sadd.s32 s28, s25;
	s2 =	ssub.s32 s30, s13;
	v4 =	vld [tilespmem:s8+$0x10800]  }
0x67: {  	s7 =	sshrl.u32 s14, $0x9;
	v41 =	vor.u32 s2, v0  }
0x68: {  	s18 =	ssub.s32 s7, s3;
	v5 =	vcvt.s32.f32 v41  }
0x69: {  	s2 =	scvt.s32.f32 s18  }
0x6a: {  	v3 =	vadd.f32 v5, v3  }
0x6b: {  	v4 =	vadd.f32 s2, v4  }
0x6c: {  	v3 =	vmax.f32 v3, $-4.000000000e+00  }
0x6d: {  	v4 =	vmax.f32 v4, $-4.000000000e+00;
	v3 =	vmin.f32 v3, $5.160000000e+02  }
0x6e: {  	v4 =	vmin.f32 v4, $5.160000000e+02;
	v42 =	vtrunc.f32 v3  }
0x6f: {  	v44 =	vtrunc.f32 v4;
	v43 =	vcvt.f32.s32 v42;
	vm15 =	vlt.f32 v3, v42  }
0x70: {  	v45 =	vcvt.f32.s32 v44;
	vm4 =	vlt.f32 v4, v44;
	v46 =	vsel vm15, $0xFFFFFFFF, v1  }
0x71: {  	v7 =	vsel vm4, $0xFFFFFFFF, v1;
	v6 =	vadd.s32 v43, v46  }
0x72: {  	v5 =	vadd.s32 v45, v7;
	v47 =	vcvt.s32.f32 v6  }
0x73: {  	vm5 =	vgt.s32 v6, $0x0;
	v48 =	vcvt.s32.f32 v5;
	vm6 =	vgt.s32 v5, $0x0  }
0x74: {  	v51 =	vadd.s32 $0x1, v5;
	v52 =	vadd.s32 $0x1, v6;
	v49 =	vnsel vm5, $0x0, v6  }
0x75: {  	v50 =	vnsel vm6, $0x0, v5;
	vm8 =	vgt.s32 v52, $0x0;
	vm10 =	vgt.s32 v51, $0x0  }
0x76: {  	v3 =	vsub.f32 v3, v47;
	v4 =	vsub.f32 v4, v48;
	v7 =	vmin.u32 v50, $0x1FF  }
0x77: {  	v9 =	vmin.u32 v49, $0x1FF;
	v57 =	vnsel vm8, $0x0, v52;
	v58 =	vnsel vm10, $0x0, v51  }
0x78: {  	vm7 =	veq.s32 v5, v7;
	v54 =	vsub.f32 $1.000000000e+00, v3;
	v55 =	vsub.f32 $1.000000000e+00, v4  }
0x79: {  	v53 =	vshll.u32 v7, $0x9;
	vm9 =	veq.s32 v6, v9;
	v12 =	vmin.u32 v57, $0x1FF  }
0x7a: {  	v8 =	vmin.u32 v58, $0x1FF;
	v5 =	vor.u32 v2, v53;
	v13 =	vmul.f32 v55, v54  }
0x7b: {  	vm11 =	veq.s32 v52, v12;
	vm12 =	vmand vm9, vm7;
	v56 =	vor.u32 v9, v5  }
0x7c: {  	s25 =	sand.u32 $0x3FFFF800, s28;
	s26 =	sadd.s32 $0x11000, s8;
	v60 =	vshll.u32 v8, $0x9;
	v11 =	vmul.f32 v55, v3;
	[tilespmem:s8+$0x11000] =	vst v56;
	v59 =	vnsel vm12, $0x0, v13  }
0x7d: {  	s28 =	sadd.s32 $0x13000, s8;
	s3 =	sadd.s32 s25, s26;
	vm13 =	veq.s32 v51, v8;
	v5 =	vor.u32 v12, v5;
	vm0 =	vmand vm11, vm7;
	[tilespmem:s8+$0x13000] =	vst v59  }
0x7e: {  	s29 =	sadd.s32 s25, s28;
	v2 =	vor.u32 v2, v60;
	v7 =	vmul.f32 v4, v54;
	v61 =	vnsel vm0, $0x0, v11;
	[tilespmem:s3+$0x800] =	vst v5  }
0x7f: {  	vm14 =	vmand vm9, vm13;
	v62 =	vor.u32 v9, v2;
	[tilespmem:s29+$0x800] =	vst v61  }
0x80: {  	v3 =	vmul.f32 v4, v3;
	v63 =	vnsel vm14, $0x0, v7;
	[tilespmem:s3+$0x1000] =	vst v62  }
0x81: {  	vm15 =	vmand vm11, vm13;
	v2 =	vor.u32 v12, v2;
	[tilespmem:s29+$0x1000] =	vst v63  }
0x82: {  	v3 =	vnsel vm15, $0x0, v3;
	[tilespmem:s3+$0x1800] =	vst v2  }
0x83: {  	s31 =	simm.s32 $0x11000;
	s30 =	simm.s32 $0x13000;
	[tilespmem:s29+$0x1800] =	vst v3  }
0x84: {  	[spmem:s1] =	stream.indirect.scatter.add.f32 [tilespmem:s30], [sflag:$0x1], $0x1, s31, s16, $0xb8;
	[tilespmem:$0x19000] =	vst v63  }
0x85: {  	s0 =	simm.s32 $0x200;
	_ =	swait.ge [sflag:s15], $0x80  }
.LBB2_5:
0x86: {  	s2 =	sshra.s32 s0, $0x2  }
0x87: {  	[sflag:s15] =	ssyncset.done $0x0;
	p0 =	sne.s32 s0, $0x7E00;
	s3 =	sadd.s32 $0x13000, s2  }
.Ltmp1:
0x88: {  	s2 =	sadd.s32 $0x11000, s2;
	[sflag:s15] =	ssyncadd.s32 $0xFFFFFF80;
	(pc) =	sbr.rel @p0 .LBB2_5-.Ltmp1, $3  }
0x89: {  	[spmem:s1] =	stream.indirect.scatter.add.f32 [tilespmem:s3], [sflag:$0x1], $0x1, s2, s16, $0xb8;
	[tilespmem:$0x19000] =	vst v63  }
0x8a: {  	s0 =	sadd.s32 $0x200, s0;
	_ =	sdelay $0x1  }
0x8b: {  	_ =	swait.ge [sflag:s15], $0x80  }
0x8c: {  	s24 =	sadd.s32 $0x1, s24  }
0x8d: {  	p0 =	sne.s32 s24, $0x20  }
.Ltmp2:
0x8e: {  	_ = 	snop;
	(pc) =	sbr.rel @p0 .LBB2_2-.Ltmp2, $3  }
0x8f: {  	_ =	sdelay $0x1  }
0x90: {  	[sflag:s15] =	ssyncset.done $0x0  }
0x91: {  	s23 =	sadd.s32 $0x1, s23;
	[sflag:s15] =	ssyncadd.s32 $0xFFFFFF80  }
0x92: {  	[bflag:$0x0] =	sbarrier.arrive $0xFFFF  }
0x93: {  	s0 =	simm.s32 $0x0;
	s14 =	rddreg [dreg:$0x3]  }
.LBB2_8:
0x94: {  	s2 =	sshll.u32 s0, $0xD  }
0x95: {  	s3 =	sadd.s32 s2, s6  }
0x96: {  	[tilespmem:s20], [sflag:$0x1] =	stream.linear.gather [spmem:s3], $0x2000, $0x38;
	[tilespmem:$0x19000] =	vst v63  }
0x97: {  	_ =	swait.ge [sflag:s15], $0x2000  }
0x98: {  	[sflag:s15] =	ssyncset.done $0x0  }
0x99: {  	s7 =	simm.s32 $0x0;
	[sflag:s15] =	ssyncadd.s32 $0xFFFFE000  }
0x9a: {  	v2 =	vld [tilespmem:s7+$0x15000]  }
0x9b: {  	s8 =	simm.s32 $0x40  }
.LBB2_9:
0x9c: {  	p0 =	sne.s32 s8, $0x7FC0  }
.Ltmp3:
0x9d: {  	_ = 	snop;
	(pc) =	sbr.rel @p0 .LBB2_9-.Ltmp3, $4  }
0x9e: {  	_ = 	snop  }
0x9f: {  	s3 =	sshra.s32 s8, $0x2;
	s8 =	sadd.s32 $0x40, s8;
	vm0 =	vgt.f32 v2, $9.999999740e-06  }
0xa0: {  	v2 =	vld [tilespmem:s3+$0x15000];
	v3 =	vsel vm0, $0x1, v1  }
0xa1: {  	[tilespmem:s7+$0x17000] =	vst v3;
	s7 =	smov.u32 s3  }
0xa2: {  	_ =	sdelay $0x2  }
0xa3: {  	s0 =	sadd.s32 $0x1, s0;
	vm0 =	vgt.f32 v2, $9.999999740e-06  }
0xa4: {  	p0 =	sne.s32 s0, $0x8;
	v2 =	vsel vm0, $0x1, v1  }
.Ltmp4:
0xa5: {  	s2 =	sadd.s32 s2, s12;
	[tilespmem:s7+$0x17000] =	vst v2;
	(pc) =	sbr.rel @p0 .LBB2_8-.Ltmp4, $4  }
0xa6: {  	[hbm4b:s2+s16] =	stream.strided.scatter [tilespmem:s22], [sflag:$0x1], $0x2000, s21, s16, $0x38;
	[tilespmem:$0x19000] =	vst v63  }
0xa7: {  	_ =	swait.ge [sflag:s15], $0x2000  }
0xa8: {  	[sflag:s15] =	ssyncset.done $0x0  }
0xa9: {  	[sflag:s15] =	ssyncadd.s32 $0xFFFFE000  }
0xaa: {  	s14 =	sadd.s32 $0x1, s14;
	s0 =	rddreg [dreg:$0x6]  }
0xab: {  	p0 =	sne.s32 s14, s0  }
.Ltmp5:
0xac: {  	_ = 	snop;
	(pc) =	sbr.rel @p0 .LBB2_1-.Ltmp5, $1  }
0xad: {  	_ =	sdelay $0x3  }
0xae: {  	_ =	sfence.sel $0x180000  }
0xaf: {  	[bflag:$0x0] =	sbarrier.arrive $0xFFFF  }
0xb0: {  	_ =	strace $0x90000047  }
0xb1: {  	s0 =	stileid.u32;
	[bflag:$0x2] =	sbarrier.arrive $0xFFFF  }
0xb2: {  	p0 =	sne.s32 s0, $0x0;
	s0 =	rddreg [dreg:$0x2]  }
0xb3: {  	s0 =	sadd.s32 @!p0 $0x100000, s0  }
0xb4: {  	[sflag:s0] =	ssyncadd.tile.s32 @!p0 $0x1;
	_ =	shalt  }
.Lfunc_end2:
_tile_overlayer_lowered:
.L_overlay_start_2:
0xb5: {  	(tag) =	ssettag $0x2  }
0xb6: {  	s0 =	rddreg [dreg:$0x0];
	s2 =	stileid.u32  }
0xb7: {  	s1 =	rddreg [dreg:$0x1];
	p0 =	sne.s32 s2, $0x0  }
0xb8: {  	s3 =	rddreg [dreg:$0x2];
	[bflag:$0x3] =	sbarrier.arrive $0xFFFF;
	s2 =	simm.s32 @!p0 $0x1C01  }
0xb9: {  	[timem:s3], [sflag:s2] =	dma.local @!p0 [hbm:s0], s1  }
0xba: {  	s0 =	simm.s32 @!p0 $0x1  }
0xbb: {  	_ =	swait.ge @!p0 [sflag:s0], s1  }
0xbc: {  	s1 =	ssub.s32 @!p0 $0x0, s1;
	[sflag:s0] =	ssyncset.done @!p0 $0x0  }
0xbd: {  	[sflag:s0] =	ssyncadd.s32 @!p0 s1  }
0xbe: {  	[bflag:$0x3] =	sbarrier.arrive $0xFFFF  }
0xbf: {  	_ =	shalt  }

</sc_bundles>
